<compile_context>
chip_gen: v7x
topology: tpu7x:2x2x1
jax: 0.10.2.dev20260603
libtpu: 0.0.44.dev20260713+nightly
codegen_flags: <defaults>
</compile_context>

<pallas_src>
import functools

import jax
import jax.numpy as jnp
from jax import lax
from jax.experimental import pallas as pl
from jax.experimental.pallas import tpu as pltpu
from jax.experimental.pallas import tpu_sc as plsc

NF = 32
L = 16
NC = 2
NS = 16
NW = NC * NS
CH = 128


def _body(uc_hbm, ic_hbm, uf_hbm, if_hbm, params_hbm, out_hbm,
          uidx_v, iidx_v, urows_v, irows_v, params_v, out_v, sem,
          *, bpw):
    nchunk = bpw // CH
    wid = lax.axis_index("s") * NC + lax.axis_index("c")
    base = wid * bpw

    for j in range(nchunk):
        pltpu.sync_copy(uc_hbm.at[pl.ds(base + j * CH, CH)], uidx_v.at[j])
        pltpu.sync_copy(ic_hbm.at[pl.ds(base + j * CH, CH)], iidx_v.at[j])
    pltpu.sync_copy(params_hbm, params_v)

    copies = []
    for j in range(nchunk):
        copies.append(pltpu.async_copy(
            uf_hbm.at[uidx_v.at[j]], urows_v.at[pl.ds(j * CH, CH)], sem))
        copies.append(pltpu.async_copy(
            if_hbm.at[iidx_v.at[j]], irows_v.at[pl.ds(j * CH, CH)], sem))
    for c in copies:
        c.wait()

    whalves = [params_v[pl.ds(0, L)], params_v[pl.ds(L, L)]]
    bias = jnp.take_along_axis(params_v[pl.ds(NF, L)],
                               jnp.zeros((L,), jnp.int32), axis=0)

    def group(g, carry):
        rows = g * L + lax.iota(jnp.int32, L)
        acc = jnp.zeros((L,), jnp.float32)
        for f in range(NF):
            fidx = jnp.full((L,), f, jnp.int32)
            pu = plsc.load_gather(urows_v, [rows, fidx])
            pi = plsc.load_gather(irows_v, [rows, fidx])
            w = jnp.take_along_axis(whalves[f // L],
                                    jnp.full((L,), f % L, jnp.int32), axis=0)
            acc = acc + pu * pi * w
        z = acc + bias
        out_v[pl.ds(g * L, L)] = 1.0 / (1.0 + jnp.exp(-z))
        return carry

    lax.fori_loop(0, bpw // L, group, 0)
    pltpu.sync_copy(out_v, out_hbm.at[pl.ds(base, bpw)])


def kernel(user_coordinates, item_coordinates, user_factors, item_factors, W1, b1):
    batch = user_coordinates.shape[0]
    assert batch % (NW * CH) == 0
    bpw = batch // NW

    params = jnp.concatenate([W1.reshape(-1), b1.reshape(-1)])
    params = jnp.pad(params, (0, NF + L - params.shape[0]))

    mesh = plsc.VectorSubcoreMesh(core_axis_name="c", subcore_axis_name="s")
    run = functools.partial(
        pl.kernel,
        mesh=mesh,
        compiler_params=pltpu.CompilerParams(needs_layout_passes=False,
                                             use_tc_tiling_on_sc=False),
        out_type=jax.ShapeDtypeStruct((batch,), jnp.float32),
        scratch_types=[
            pltpu.VMEM((bpw // CH, CH), jnp.int32),
            pltpu.VMEM((bpw // CH, CH), jnp.int32),
            pltpu.VMEM((bpw, NF), jnp.float32),
            pltpu.VMEM((bpw, NF), jnp.float32),
            pltpu.VMEM((params.shape[0],), jnp.float32),
            pltpu.VMEM((bpw,), jnp.float32),
            pltpu.SemaphoreType.DMA,
        ],
    )(functools.partial(_body, bpw=bpw))

    out = run(user_coordinates.astype(jnp.int32),
              item_coordinates.astype(jnp.int32),
              user_factors, item_factors, params)
    return out.reshape(batch, 1)

# --- scband reference (transcript-rebuilt; emitter-appended) ---
"""Pipeline reference for scband-mf-mse-py-torch-model-42064909697606 (READ-ONLY COPY).

The authoritative reference and input builder live on the scoring server;
editing this copy changes nothing except your own understanding.
"""

import jax, jax.numpy as jnp
import numpy as np

N_USERS = 1000000
N_ITEMS = 1000000
N_FACTORS = 32
BATCH = 16384

def setup_inputs(seed: int = 0) -> dict:
    key = jax.random.key(seed)
    k1, k2, k3, k4, k5, k6 = jax.random.split(key, 6)
    user_coordinates = jax.random.randint(k1, (BATCH,), 0, N_USERS, dtype=jnp.int64 if jax.config.jax_enable_x64 else jnp.int32)
    item_coordinates = jax.random.randint(k2, (BATCH,), 0, N_ITEMS, dtype=jnp.int64 if jax.config.jax_enable_x64 else jnp.int32)
    user_factors = jax.random.normal(k3, (N_USERS, N_FACTORS), dtype=jnp.float32)
    item_factors = jax.random.normal(k4, (N_ITEMS, N_FACTORS), dtype=jnp.float32)
    # torch.nn.Linear(32, 1): weight [1, 32], bias [1]
    W1 = jax.random.uniform(k5, (1, N_FACTORS), dtype=jnp.float32, minval=-1.0/np.sqrt(N_FACTORS), maxval=1.0/np.sqrt(N_FACTORS))
    b1 = jax.random.uniform(k6, (1,), dtype=jnp.float32, minval=-1.0/np.sqrt(N_FACTORS), maxval=1.0/np.sqrt(N_FACTORS))
    return {
        "user_coordinates": user_coordinates,
        "item_coordinates": item_coordinates,
        "user_factors": user_factors,
        "item_factors": item_factors,
        "W1": W1,
        "b1": b1,
    }

def reference(user_coordinates, item_coordinates, user_factors, item_factors, W1, b1):
    current_user_factors = jnp.take(user_factors, user_coordinates, axis=0)  # [B, F]
    current_item_factors = jnp.take(item_factors, item_coordinates, axis=0)  # [B, F]
    prediction = current_user_factors * current_item_factors                 # [B, F]
    prediction = prediction @ W1.T + b1                                      # [B, 1]
    prediction = jax.nn.sigmoid(prediction)
    return prediction

if __name__ == "__main__":
    import jax
    _d = setup_inputs()
    print(jax.jit(kernel)(*tuple(_d.values())))

</pallas_src>

<mosaic_0001>
#map = affine_map<(d0, d1) -> (0)>
#map1 = affine_map<(d0, d1) -> (0, 0)>
module attributes {stable_mosaic.version = 14 : i64} {
  func.func @_body(%arg0: i32, %arg1: i32, %arg2: memref<16384xi32, #tpu.memory_space<hbm>>, %arg3: memref<16384xi32, #tpu.memory_space<hbm>>, %arg4: memref<1000000x32xf32, #tpu.memory_space<hbm>>, %arg5: memref<1000000x32xf32, #tpu.memory_space<hbm>>, %arg6: memref<48xf32, #tpu.memory_space<hbm>>, %arg7: memref<16384xf32, #tpu.memory_space<hbm>>, %arg8: memref<4x128xi32, #tpu.memory_space<vmem>>, %arg9: memref<4x128xi32, #tpu.memory_space<vmem>>, %arg10: memref<512x32xf32, #tpu.memory_space<vmem>>, %arg11: memref<512x32xf32, #tpu.memory_space<vmem>>, %arg12: memref<48xf32, #tpu.memory_space<vmem>>, %arg13: memref<512xf32, #tpu.memory_space<vmem>>, %arg14: memref<!tpu.dma_semaphore, #tpu.memory_space<semaphore_mem>>) attributes {dimension_semantics = [#tpu.dimension_semantics<core_parallel>, #tpu.dimension_semantics<subcore_parallel>], iteration_bounds = array<i64: 2, 16>, scalar_prefetch = 0 : i64, scratch_operands = 7 : i64, tpu.core_type = #tpu.core_type<sc_vector_subcore>, window_params = [{transform_indices = #map}, {transform_indices = #map}, {transform_indices = #map1}, {transform_indices = #map1}, {transform_indices = #map}, {transform_indices = #map}]} {
    %mul3A = arith.constant 2 : i32
    %mul3A_0 = arith.muli %arg1, %mul3A : i32
    %add3A = arith.addi %mul3A_0, %arg0 : i32
    %mul3A_1 = arith.constant 512 : i32
    %mul3A_2 = arith.muli %add3A, %mul3A_1 : i32
    %add3A_3 = arith.constant 0 : i32
    %add3A_4 = arith.addi %mul3A_2, %add3A_3 : i32
    %run_scoped3A = arith.constant 0 : i32
    "tpu.region"() ({
      %run_scoped3A_201 = tpu.sem_alloc : memref<!tpu.dma_semaphore, #tpu.memory_space<semaphore_mem>>
      %dma_start3A_202 = arith.constant 0 : i32
      %dma_start3A_203 = tpu.memref_slice %arg8[%run_scoped3A, %dma_start3A_202] : memref<4x128xi32, #tpu.memory_space<vmem>> -> memref<1x128xi32, #tpu.memory_space<vmem>>
      %dma_start3A_204 = tpu.memref_squeeze %dma_start3A_203 : memref<1x128xi32, #tpu.memory_space<vmem>> -> memref<128xi32, #tpu.memory_space<vmem>>
      %dma_start3A_205 = tpu.memref_slice %arg2[%add3A_4] : memref<16384xi32, #tpu.memory_space<hbm>> -> memref<128xi32, #tpu.memory_space<hbm>>
      %dma_start3A_206 = arith.constant 0 : i32
      %dma_start3A_207 = tpu.memref_slice %arg8[%run_scoped3A, %dma_start3A_206] : memref<4x128xi32, #tpu.memory_space<vmem>> -> memref<1x128xi32, #tpu.memory_space<vmem>>
      %dma_start3A_208 = tpu.memref_squeeze %dma_start3A_207 : memref<1x128xi32, #tpu.memory_space<vmem>> -> memref<128xi32, #tpu.memory_space<vmem>>
      %dma_start3A_209 = tpu.memref_slice %arg2[%add3A_4] : memref<16384xi32, #tpu.memory_space<hbm>> -> memref<128xi32, #tpu.memory_space<hbm>>
      tpu.enqueue_dma source(%dma_start3A_209 : memref<128xi32, #tpu.memory_space<hbm>>) target(%dma_start3A_208 : memref<128xi32, #tpu.memory_space<vmem>>) target_semaphore(%run_scoped3A_201 : memref<!tpu.dma_semaphore, #tpu.memory_space<semaphore_mem>>)
      %dma_wait3A_210 = arith.constant 0 : i32
      %dma_wait3A_211 = tpu.memref_slice %arg8[%run_scoped3A, %dma_wait3A_210] : memref<4x128xi32, #tpu.memory_space<vmem>> -> memref<1x128xi32, #tpu.memory_space<vmem>>
      %dma_wait3A_212 = tpu.memref_squeeze %dma_wait3A_211 : memref<1x128xi32, #tpu.memory_space<vmem>> -> memref<128xi32, #tpu.memory_space<vmem>>
      %dma_wait3A_213 = tpu.memref_slice %arg2[%add3A_4] : memref<16384xi32, #tpu.memory_space<hbm>> -> memref<128xi32, #tpu.memory_space<hbm>>
      %dma_wait3A_214 = arith.constant 0 : i32
      %dma_wait3A_215 = tpu.memref_slice %arg8[%run_scoped3A, %dma_wait3A_214] : memref<4x128xi32, #tpu.memory_space<vmem>> -> memref<1x128xi32, #tpu.memory_space<vmem>>
      %dma_wait3A_216 = tpu.memref_squeeze %dma_wait3A_215 : memref<1x128xi32, #tpu.memory_space<vmem>> -> memref<128xi32, #tpu.memory_space<vmem>>
      %dma_wait3A_217 = tpu.memref_slice %arg2[%add3A_4] : memref<16384xi32, #tpu.memory_space<hbm>> -> memref<128xi32, #tpu.memory_space<hbm>>
      tpu.wait_dma2 semaphore(%run_scoped3A_201 : memref<!tpu.dma_semaphore, #tpu.memory_space<semaphore_mem>>) src(%dma_wait3A_217 : memref<128xi32, #tpu.memory_space<hbm>>) dst(%dma_wait3A_216 : memref<128xi32, #tpu.memory_space<vmem>>)
      tpu.yield
    }) : () -> ()
    %add3A_5 = arith.constant 0 : i32
    %add3A_6 = arith.addi %mul3A_2, %add3A_5 : i32
    %run_scoped3A_7 = arith.constant 0 : i32
    "tpu.region"() ({
      %run_scoped3A_201 = tpu.sem_alloc : memref<!tpu.dma_semaphore, #tpu.memory_space<semaphore_mem>>
      %dma_start3A_202 = arith.constant 0 : i32
      %dma_start3A_203 = tpu.memref_slice %arg9[%run_scoped3A_7, %dma_start3A_202] : memref<4x128xi32, #tpu.memory_space<vmem>> -> memref<1x128xi32, #tpu.memory_space<vmem>>
      %dma_start3A_204 = tpu.memref_squeeze %dma_start3A_203 : memref<1x128xi32, #tpu.memory_space<vmem>> -> memref<128xi32, #tpu.memory_space<vmem>>
      %dma_start3A_205 = tpu.memref_slice %arg3[%add3A_6] : memref<16384xi32, #tpu.memory_space<hbm>> -> memref<128xi32, #tpu.memory_space<hbm>>
      %dma_start3A_206 = arith.constant 0 : i32
      %dma_start3A_207 = tpu.memref_slice %arg9[%run_scoped3A_7, %dma_start3A_206] : memref<4x128xi32, #tpu.memory_space<vmem>> -> memref<1x128xi32, #tpu.memory_space<vmem>>
      %dma_start3A_208 = tpu.memref_squeeze %dma_start3A_207 : memref<1x128xi32, #tpu.memory_space<vmem>> -> memref<128xi32, #tpu.memory_space<vmem>>
      %dma_start3A_209 = tpu.memref_slice %arg3[%add3A_6] : memref<16384xi32, #tpu.memory_space<hbm>> -> memref<128xi32, #tpu.memory_space<hbm>>
      tpu.enqueue_dma source(%dma_start3A_209 : memref<128xi32, #tpu.memory_space<hbm>>) target(%dma_start3A_208 : memref<128xi32, #tpu.memory_space<vmem>>) target_semaphore(%run_scoped3A_201 : memref<!tpu.dma_semaphore, #tpu.memory_space<semaphore_mem>>)
      %dma_wait3A_210 = arith.constant 0 : i32
      %dma_wait3A_211 = tpu.memref_slice %arg9[%run_scoped3A_7, %dma_wait3A_210] : memref<4x128xi32, #tpu.memory_space<vmem>> -> memref<1x128xi32, #tpu.memory_space<vmem>>
      %dma_wait3A_212 = tpu.memref_squeeze %dma_wait3A_211 : memref<1x128xi32, #tpu.memory_space<vmem>> -> memref<128xi32, #tpu.memory_space<vmem>>
      %dma_wait3A_213 = tpu.memref_slice %arg3[%add3A_6] : memref<16384xi32, #tpu.memory_space<hbm>> -> memref<128xi32, #tpu.memory_space<hbm>>
      %dma_wait3A_214 = arith.constant 0 : i32
      %dma_wait3A_215 = tpu.memref_slice %arg9[%run_scoped3A_7, %dma_wait3A_214] : memref<4x128xi32, #tpu.memory_space<vmem>> -> memref<1x128xi32, #tpu.memory_space<vmem>>
      %dma_wait3A_216 = tpu.memref_squeeze %dma_wait3A_215 : memref<1x128xi32, #tpu.memory_space<vmem>> -> memref<128xi32, #tpu.memory_space<vmem>>
      %dma_wait3A_217 = tpu.memref_slice %arg3[%add3A_6] : memref<16384xi32, #tpu.memory_space<hbm>> -> memref<128xi32, #tpu.memory_space<hbm>>
      tpu.wait_dma2 semaphore(%run_scoped3A_201 : memref<!tpu.dma_semaphore, #tpu.memory_space<semaphore_mem>>) src(%dma_wait3A_217 : memref<128xi32, #tpu.memory_space<hbm>>) dst(%dma_wait3A_216 : memref<128xi32, #tpu.memory_space<vmem>>)
      tpu.yield
    }) : () -> ()
    %add3A_8 = arith.constant 128 : i32
    %add3A_9 = arith.addi %mul3A_2, %add3A_8 : i32
    %run_scoped3A_10 = arith.constant 1 : i32
    "tpu.region"() ({
      %run_scoped3A_201 = tpu.sem_alloc : memref<!tpu.dma_semaphore, #tpu.memory_space<semaphore_mem>>
      %dma_start3A_202 = arith.constant 0 : i32
      %dma_start3A_203 = tpu.memref_slice %arg8[%run_scoped3A_10, %dma_start3A_202] : memref<4x128xi32, #tpu.memory_space<vmem>> -> memref<1x128xi32, #tpu.memory_space<vmem>>
      %dma_start3A_204 = tpu.memref_squeeze %dma_start3A_203 : memref<1x128xi32, #tpu.memory_space<vmem>> -> memref<128xi32, #tpu.memory_space<vmem>>
      %dma_start3A_205 = tpu.memref_slice %arg2[%add3A_9] : memref<16384xi32, #tpu.memory_space<hbm>> -> memref<128xi32, #tpu.memory_space<hbm>>
      %dma_start3A_206 = arith.constant 0 : i32
      %dma_start3A_207 = tpu.memref_slice %arg8[%run_scoped3A_10, %dma_start3A_206] : memref<4x128xi32, #tpu.memory_space<vmem>> -> memref<1x128xi32, #tpu.memory_space<vmem>>
      %dma_start3A_208 = tpu.memref_squeeze %dma_start3A_207 : memref<1x128xi32, #tpu.memory_space<vmem>> -> memref<128xi32, #tpu.memory_space<vmem>>
      %dma_start3A_209 = tpu.memref_slice %arg2[%add3A_9] : memref<16384xi32, #tpu.memory_space<hbm>> -> memref<128xi32, #tpu.memory_space<hbm>>
      tpu.enqueue_dma source(%dma_start3A_209 : memref<128xi32, #tpu.memory_space<hbm>>) target(%dma_start3A_208 : memref<128xi32, #tpu.memory_space<vmem>>) target_semaphore(%run_scoped3A_201 : memref<!tpu.dma_semaphore, #tpu.memory_space<semaphore_mem>>)
      %dma_wait3A_210 = arith.constant 0 : i32
      %dma_wait3A_211 = tpu.memref_slice %arg8[%run_scoped3A_10, %dma_wait3A_210] : memref<4x128xi32, #tpu.memory_space<vmem>> -> memref<1x128xi32, #tpu.memory_space<vmem>>
      %dma_wait3A_212 = tpu.memref_squeeze %dma_wait3A_211 : memref<1x128xi32, #tpu.memory_space<vmem>> -> memref<128xi32, #tpu.memory_space<vmem>>
      %dma_wait3A_213 = tpu.memref_slice %arg2[%add3A_9] : memref<16384xi32, #tpu.memory_space<hbm>> -> memref<128xi32, #tpu.memory_space<hbm>>
      %dma_wait3A_214 = arith.constant 0 : i32
      %dma_wait3A_215 = tpu.memref_slice %arg8[%run_scoped3A_10, %dma_wait3A_214] : memref<4x128xi32, #tpu.memory_space<vmem>> -> memref<1x128xi32, #tpu.memory_space<vmem>>
      %dma_wait3A_216 = tpu.memref_squeeze %dma_wait3A_215 : memref<1x128xi32, #tpu.memory_space<vmem>> -> memref<128xi32, #tpu.memory_space<vmem>>
      %dma_wait3A_217 = tpu.memref_slice %arg2[%add3A_9] : memref<16384xi32, #tpu.memory_space<hbm>> -> memref<128xi32, #tpu.memory_space<hbm>>
      tpu.wait_dma2 semaphore(%run_scoped3A_201 : memref<!tpu.dma_semaphore, #tpu.memory_space<semaphore_mem>>) src(%dma_wait3A_217 : memref<128xi32, #tpu.memory_space<hbm>>) dst(%dma_wait3A_216 : memref<128xi32, #tpu.memory_space<vmem>>)
      tpu.yield
    }) : () -> ()
    %add3A_11 = arith.constant 128 : i32
    %add3A_12 = arith.addi %mul3A_2, %add3A_11 : i32
    %run_scoped3A_13 = arith.constant 1 : i32
    "tpu.region"() ({
      %run_scoped3A_201 = tpu.sem_alloc : memref<!tpu.dma_semaphore, #tpu.memory_space<semaphore_mem>>
      %dma_start3A_202 = arith.constant 0 : i32
      %dma_start3A_203 = tpu.memref_slice %arg9[%run_scoped3A_13, %dma_start3A_202] : memref<4x128xi32, #tpu.memory_space<vmem>> -> memref<1x128xi32, #tpu.memory_space<vmem>>
      %dma_start3A_204 = tpu.memref_squeeze %dma_start3A_203 : memref<1x128xi32, #tpu.memory_space<vmem>> -> memref<128xi32, #tpu.memory_space<vmem>>
      %dma_start3A_205 = tpu.memref_slice %arg3[%add3A_12] : memref<16384xi32, #tpu.memory_space<hbm>> -> memref<128xi32, #tpu.memory_space<hbm>>
      %dma_start3A_206 = arith.constant 0 : i32
      %dma_start3A_207 = tpu.memref_slice %arg9[%run_scoped3A_13, %dma_start3A_206] : memref<4x128xi32, #tpu.memory_space<vmem>> -> memref<1x128xi32, #tpu.memory_space<vmem>>
      %dma_start3A_208 = tpu.memref_squeeze %dma_start3A_207 : memref<1x128xi32, #tpu.memory_space<vmem>> -> memref<128xi32, #tpu.memory_space<vmem>>
      %dma_start3A_209 = tpu.memref_slice %arg3[%add3A_12] : memref<16384xi32, #tpu.memory_space<hbm>> -> memref<128xi32, #tpu.memory_space<hbm>>
      tpu.enqueue_dma source(%dma_start3A_209 : memref<128xi32, #tpu.memory_space<hbm>>) target(%dma_start3A_208 : memref<128xi32, #tpu.memory_space<vmem>>) target_semaphore(%run_scoped3A_201 : memref<!tpu.dma_semaphore, #tpu.memory_space<semaphore_mem>>)
      %dma_wait3A_210 = arith.constant 0 : i32
      %dma_wait3A_211 = tpu.memref_slice %arg9[%run_scoped3A_13, %dma_wait3A_210] : memref<4x128xi32, #tpu.memory_space<vmem>> -> memref<1x128xi32, #tpu.memory_space<vmem>>
      %dma_wait3A_212 = tpu.memref_squeeze %dma_wait3A_211 : memref<1x128xi32, #tpu.memory_space<vmem>> -> memref<128xi32, #tpu.memory_space<vmem>>
      %dma_wait3A_213 = tpu.memref_slice %arg3[%add3A_12] : memref<16384xi32, #tpu.memory_space<hbm>> -> memref<128xi32, #tpu.memory_space<hbm>>
      %dma_wait3A_214 = arith.constant 0 : i32
      %dma_wait3A_215 = tpu.memref_slice %arg9[%run_scoped3A_13, %dma_wait3A_214] : memref<4x128xi32, #tpu.memory_space<vmem>> -> memref<1x128xi32, #tpu.memory_space<vmem>>
      %dma_wait3A_216 = tpu.memref_squeeze %dma_wait3A_215 : memref<1x128xi32, #tpu.memory_space<vmem>> -> memref<128xi32, #tpu.memory_space<vmem>>
      %dma_wait3A_217 = tpu.memref_slice %arg3[%add3A_12] : memref<16384xi32, #tpu.memory_space<hbm>> -> memref<128xi32, #tpu.memory_space<hbm>>
      tpu.wait_dma2 semaphore(%run_scoped3A_201 : memref<!tpu.dma_semaphore, #tpu.memory_space<semaphore_mem>>) src(%dma_wait3A_217 : memref<128xi32, #tpu.memory_space<hbm>>) dst(%dma_wait3A_216 : memref<128xi32, #tpu.memory_space<vmem>>)
      tpu.yield
    }) : () -> ()
    %add3A_14 = arith.constant 256 : i32
    %add3A_15 = arith.addi %mul3A_2, %add3A_14 : i32
    %run_scoped3A_16 = arith.constant 2 : i32
    "tpu.region"() ({
      %run_scoped3A_201 = tpu.sem_alloc : memref<!tpu.dma_semaphore, #tpu.memory_space<semaphore_mem>>
      %dma_start3A_202 = arith.constant 0 : i32
      %dma_start3A_203 = tpu.memref_slice %arg8[%run_scoped3A_16, %dma_start3A_202] : memref<4x128xi32, #tpu.memory_space<vmem>> -> memref<1x128xi32, #tpu.memory_space<vmem>>
      %dma_start3A_204 = tpu.memref_squeeze %dma_start3A_203 : memref<1x128xi32, #tpu.memory_space<vmem>> -> memref<128xi32, #tpu.memory_space<vmem>>
      %dma_start3A_205 = tpu.memref_slice %arg2[%add3A_15] : memref<16384xi32, #tpu.memory_space<hbm>> -> memref<128xi32, #tpu.memory_space<hbm>>
      %dma_start3A_206 = arith.constant 0 : i32
      %dma_start3A_207 = tpu.memref_slice %arg8[%run_scoped3A_16, %dma_start3A_206] : memref<4x128xi32, #tpu.memory_space<vmem>> -> memref<1x128xi32, #tpu.memory_space<vmem>>
      %dma_start3A_208 = tpu.memref_squeeze %dma_start3A_207 : memref<1x128xi32, #tpu.memory_space<vmem>> -> memref<128xi32, #tpu.memory_space<vmem>>
      %dma_start3A_209 = tpu.memref_slice %arg2[%add3A_15] : memref<16384xi32, #tpu.memory_space<hbm>> -> memref<128xi32, #tpu.memory_space<hbm>>
      tpu.enqueue_dma source(%dma_start3A_209 : memref<128xi32, #tpu.memory_space<hbm>>) target(%dma_start3A_208 : memref<128xi32, #tpu.memory_space<vmem>>) target_semaphore(%run_scoped3A_201 : memref<!tpu.dma_semaphore, #tpu.memory_space<semaphore_mem>>)
      %dma_wait3A_210 = arith.constant 0 : i32
      %dma_wait3A_211 = tpu.memref_slice %arg8[%run_scoped3A_16, %dma_wait3A_210] : memref<4x128xi32, #tpu.memory_space<vmem>> -> memref<1x128xi32, #tpu.memory_space<vmem>>
      %dma_wait3A_212 = tpu.memref_squeeze %dma_wait3A_211 : memref<1x128xi32, #tpu.memory_space<vmem>> -> memref<128xi32, #tpu.memory_space<vmem>>
      %dma_wait3A_213 = tpu.memref_slice %arg2[%add3A_15] : memref<16384xi32, #tpu.memory_space<hbm>> -> memref<128xi32, #tpu.memory_space<hbm>>
      %dma_wait3A_214 = arith.constant 0 : i32
      %dma_wait3A_215 = tpu.memref_slice %arg8[%run_scoped3A_16, %dma_wait3A_214] : memref<4x128xi32, #tpu.memory_space<vmem>> -> memref<1x128xi32, #tpu.memory_space<vmem>>
      %dma_wait3A_216 = tpu.memref_squeeze %dma_wait3A_215 : memref<1x128xi32, #tpu.memory_space<vmem>> -> memref<128xi32, #tpu.memory_space<vmem>>
      %dma_wait3A_217 = tpu.memref_slice %arg2[%add3A_15] : memref<16384xi32, #tpu.memory_space<hbm>> -> memref<128xi32, #tpu.memory_space<hbm>>
      tpu.wait_dma2 semaphore(%run_scoped3A_201 : memref<!tpu.dma_semaphore, #tpu.memory_space<semaphore_mem>>) src(%dma_wait3A_217 : memref<128xi32, #tpu.memory_space<hbm>>) dst(%dma_wait3A_216 : memref<128xi32, #tpu.memory_space<vmem>>)
      tpu.yield
    }) : () -> ()
    %add3A_17 = arith.constant 256 : i32
    %add3A_18 = arith.addi %mul3A_2, %add3A_17 : i32
    %run_scoped3A_19 = arith.constant 2 : i32
    "tpu.region"() ({
      %run_scoped3A_201 = tpu.sem_alloc : memref<!tpu.dma_semaphore, #tpu.memory_space<semaphore_mem>>
      %dma_start3A_202 = arith.constant 0 : i32
      %dma_start3A_203 = tpu.memref_slice %arg9[%run_scoped3A_19, %dma_start3A_202] : memref<4x128xi32, #tpu.memory_space<vmem>> -> memref<1x128xi32, #tpu.memory_space<vmem>>
      %dma_start3A_204 = tpu.memref_squeeze %dma_start3A_203 : memref<1x128xi32, #tpu.memory_space<vmem>> -> memref<128xi32, #tpu.memory_space<vmem>>
      %dma_start3A_205 = tpu.memref_slice %arg3[%add3A_18] : memref<16384xi32, #tpu.memory_space<hbm>> -> memref<128xi32, #tpu.memory_space<hbm>>
      %dma_start3A_206 = arith.constant 0 : i32
      %dma_start3A_207 = tpu.memref_slice %arg9[%run_scoped3A_19, %dma_start3A_206] : memref<4x128xi32, #tpu.memory_space<vmem>> -> memref<1x128xi32, #tpu.memory_space<vmem>>
      %dma_start3A_208 = tpu.memref_squeeze %dma_start3A_207 : memref<1x128xi32, #tpu.memory_space<vmem>> -> memref<128xi32, #tpu.memory_space<vmem>>
      %dma_start3A_209 = tpu.memref_slice %arg3[%add3A_18] : memref<16384xi32, #tpu.memory_space<hbm>> -> memref<128xi32, #tpu.memory_space<hbm>>
      tpu.enqueue_dma source(%dma_start3A_209 : memref<128xi32, #tpu.memory_space<hbm>>) target(%dma_start3A_208 : memref<128xi32, #tpu.memory_space<vmem>>) target_semaphore(%run_scoped3A_201 : memref<!tpu.dma_semaphore, #tpu.memory_space<semaphore_mem>>)
      %dma_wait3A_210 = arith.constant 0 : i32
      %dma_wait3A_211 = tpu.memref_slice %arg9[%run_scoped3A_19, %dma_wait3A_210] : memref<4x128xi32, #tpu.memory_space<vmem>> -> memref<1x128xi32, #tpu.memory_space<vmem>>
      %dma_wait3A_212 = tpu.memref_squeeze %dma_wait3A_211 : memref<1x128xi32, #tpu.memory_space<vmem>> -> memref<128xi32, #tpu.memory_space<vmem>>
      %dma_wait3A_213 = tpu.memref_slice %arg3[%add3A_18] : memref<16384xi32, #tpu.memory_space<hbm>> -> memref<128xi32, #tpu.memory_space<hbm>>
      %dma_wait3A_214 = arith.constant 0 : i32
      %dma_wait3A_215 = tpu.memref_slice %arg9[%run_scoped3A_19, %dma_wait3A_214] : memref<4x128xi32, #tpu.memory_space<vmem>> -> memref<1x128xi32, #tpu.memory_space<vmem>>
      %dma_wait3A_216 = tpu.memref_squeeze %dma_wait3A_215 : memref<1x128xi32, #tpu.memory_space<vmem>> -> memref<128xi32, #tpu.memory_space<vmem>>
      %dma_wait3A_217 = tpu.memref_slice %arg3[%add3A_18] : memref<16384xi32, #tpu.memory_space<hbm>> -> memref<128xi32, #tpu.memory_space<hbm>>
      tpu.wait_dma2 semaphore(%run_scoped3A_201 : memref<!tpu.dma_semaphore, #tpu.memory_space<semaphore_mem>>) src(%dma_wait3A_217 : memref<128xi32, #tpu.memory_space<hbm>>) dst(%dma_wait3A_216 : memref<128xi32, #tpu.memory_space<vmem>>)
      tpu.yield
    }) : () -> ()
    %add3A_20 = arith.constant 384 : i32
    %add3A_21 = arith.addi %mul3A_2, %add3A_20 : i32
    %run_scoped3A_22 = arith.constant 3 : i32
    "tpu.region"() ({
      %run_scoped3A_201 = tpu.sem_alloc : memref<!tpu.dma_semaphore, #tpu.memory_space<semaphore_mem>>
      %dma_start3A_202 = arith.constant 0 : i32
      %dma_start3A_203 = tpu.memref_slice %arg8[%run_scoped3A_22, %dma_start3A_202] : memref<4x128xi32, #tpu.memory_space<vmem>> -> memref<1x128xi32, #tpu.memory_space<vmem>>
      %dma_start3A_204 = tpu.memref_squeeze %dma_start3A_203 : memref<1x128xi32, #tpu.memory_space<vmem>> -> memref<128xi32, #tpu.memory_space<vmem>>
      %dma_start3A_205 = tpu.memref_slice %arg2[%add3A_21] : memref<16384xi32, #tpu.memory_space<hbm>> -> memref<128xi32, #tpu.memory_space<hbm>>
      %dma_start3A_206 = arith.constant 0 : i32
      %dma_start3A_207 = tpu.memref_slice %arg8[%run_scoped3A_22, %dma_start3A_206] : memref<4x128xi32, #tpu.memory_space<vmem>> -> memref<1x128xi32, #tpu.memory_space<vmem>>
      %dma_start3A_208 = tpu.memref_squeeze %dma_start3A_207 : memref<1x128xi32, #tpu.memory_space<vmem>> -> memref<128xi32, #tpu.memory_space<vmem>>
      %dma_start3A_209 = tpu.memref_slice %arg2[%add3A_21] : memref<16384xi32, #tpu.memory_space<hbm>> -> memref<128xi32, #tpu.memory_space<hbm>>
      tpu.enqueue_dma source(%dma_start3A_209 : memref<128xi32, #tpu.memory_space<hbm>>) target(%dma_start3A_208 : memref<128xi32, #tpu.memory_space<vmem>>) target_semaphore(%run_scoped3A_201 : memref<!tpu.dma_semaphore, #tpu.memory_space<semaphore_mem>>)
      %dma_wait3A_210 = arith.constant 0 : i32
      %dma_wait3A_211 = tpu.memref_slice %arg8[%run_scoped3A_22, %dma_wait3A_210] : memref<4x128xi32, #tpu.memory_space<vmem>> -> memref<1x128xi32, #tpu.memory_space<vmem>>
      %dma_wait3A_212 = tpu.memref_squeeze %dma_wait3A_211 : memref<1x128xi32, #tpu.memory_space<vmem>> -> memref<128xi32, #tpu.memory_space<vmem>>
      %dma_wait3A_213 = tpu.memref_slice %arg2[%add3A_21] : memref<16384xi32, #tpu.memory_space<hbm>> -> memref<128xi32, #tpu.memory_space<hbm>>
      %dma_wait3A_214 = arith.constant 0 : i32
      %dma_wait3A_215 = tpu.memref_slice %arg8[%run_scoped3A_22, %dma_wait3A_214] : memref<4x128xi32, #tpu.memory_space<vmem>> -> memref<1x128xi32, #tpu.memory_space<vmem>>
      %dma_wait3A_216 = tpu.memref_squeeze %dma_wait3A_215 : memref<1x128xi32, #tpu.memory_space<vmem>> -> memref<128xi32, #tpu.memory_space<vmem>>
      %dma_wait3A_217 = tpu.memref_slice %arg2[%add3A_21] : memref<16384xi32, #tpu.memory_space<hbm>> -> memref<128xi32, #tpu.memory_space<hbm>>
      tpu.wait_dma2 semaphore(%run_scoped3A_201 : memref<!tpu.dma_semaphore, #tpu.memory_space<semaphore_mem>>) src(%dma_wait3A_217 : memref<128xi32, #tpu.memory_space<hbm>>) dst(%dma_wait3A_216 : memref<128xi32, #tpu.memory_space<vmem>>)
      tpu.yield
    }) : () -> ()
    %add3A_23 = arith.constant 384 : i32
    %add3A_24 = arith.addi %mul3A_2, %add3A_23 : i32
    %run_scoped3A_25 = arith.constant 3 : i32
    "tpu.region"() ({
      %run_scoped3A_201 = tpu.sem_alloc : memref<!tpu.dma_semaphore, #tpu.memory_space<semaphore_mem>>
      %dma_start3A_202 = arith.constant 0 : i32
      %dma_start3A_203 = tpu.memref_slice %arg9[%run_scoped3A_25, %dma_start3A_202] : memref<4x128xi32, #tpu.memory_space<vmem>> -> memref<1x128xi32, #tpu.memory_space<vmem>>
      %dma_start3A_204 = tpu.memref_squeeze %dma_start3A_203 : memref<1x128xi32, #tpu.memory_space<vmem>> -> memref<128xi32, #tpu.memory_space<vmem>>
      %dma_start3A_205 = tpu.memref_slice %arg3[%add3A_24] : memref<16384xi32, #tpu.memory_space<hbm>> -> memref<128xi32, #tpu.memory_space<hbm>>
      %dma_start3A_206 = arith.constant 0 : i32
      %dma_start3A_207 = tpu.memref_slice %arg9[%run_scoped3A_25, %dma_start3A_206] : memref<4x128xi32, #tpu.memory_space<vmem>> -> memref<1x128xi32, #tpu.memory_space<vmem>>
      %dma_start3A_208 = tpu.memref_squeeze %dma_start3A_207 : memref<1x128xi32, #tpu.memory_space<vmem>> -> memref<128xi32, #tpu.memory_space<vmem>>
      %dma_start3A_209 = tpu.memref_slice %arg3[%add3A_24] : memref<16384xi32, #tpu.memory_space<hbm>> -> memref<128xi32, #tpu.memory_space<hbm>>
      tpu.enqueue_dma source(%dma_start3A_209 : memref<128xi32, #tpu.memory_space<hbm>>) target(%dma_start3A_208 : memref<128xi32, #tpu.memory_space<vmem>>) target_semaphore(%run_scoped3A_201 : memref<!tpu.dma_semaphore, #tpu.memory_space<semaphore_mem>>)
      %dma_wait3A_210 = arith.constant 0 : i32
      %dma_wait3A_211 = tpu.memref_slice %arg9[%run_scoped3A_25, %dma_wait3A_210] : memref<4x128xi32, #tpu.memory_space<vmem>> -> memref<1x128xi32, #tpu.memory_space<vmem>>
      %dma_wait3A_212 = tpu.memref_squeeze %dma_wait3A_211 : memref<1x128xi32, #tpu.memory_space<vmem>> -> memref<128xi32, #tpu.memory_space<vmem>>
      %dma_wait3A_213 = tpu.memref_slice %arg3[%add3A_24] : memref<16384xi32, #tpu.memory_space<hbm>> -> memref<128xi32, #tpu.memory_space<hbm>>
      %dma_wait3A_214 = arith.constant 0 : i32
      %dma_wait3A_215 = tpu.memref_slice %arg9[%run_scoped3A_25, %dma_wait3A_214] : memref<4x128xi32, #tpu.memory_space<vmem>> -> memref<1x128xi32, #tpu.memory_space<vmem>>
      %dma_wait3A_216 = tpu.memref_squeeze %dma_wait3A_215 : memref<1x128xi32, #tpu.memory_space<vmem>> -> memref<128xi32, #tpu.memory_space<vmem>>
      %dma_wait3A_217 = tpu.memref_slice %arg3[%add3A_24] : memref<16384xi32, #tpu.memory_space<hbm>> -> memref<128xi32, #tpu.memory_space<hbm>>
      tpu.wait_dma2 semaphore(%run_scoped3A_201 : memref<!tpu.dma_semaphore, #tpu.memory_space<semaphore_mem>>) src(%dma_wait3A_217 : memref<128xi32, #tpu.memory_space<hbm>>) dst(%dma_wait3A_216 : memref<128xi32, #tpu.memory_space<vmem>>)
      tpu.yield
    }) : () -> ()
    "tpu.region"() ({
      %run_scoped3A_201 = tpu.sem_alloc : memref<!tpu.dma_semaphore, #tpu.memory_space<semaphore_mem>>
      tpu.enqueue_dma source(%arg6 : memref<48xf32, #tpu.memory_space<hbm>>) target(%arg12 : memref<48xf32, #tpu.memory_space<vmem>>) target_semaphore(%run_scoped3A_201 : memref<!tpu.dma_semaphore, #tpu.memory_space<semaphore_mem>>)
      tpu.wait_dma2 semaphore(%run_scoped3A_201 : memref<!tpu.dma_semaphore, #tpu.memory_space<semaphore_mem>>) src(%arg6 : memref<48xf32, #tpu.memory_space<hbm>>) dst(%arg12 : memref<48xf32, #tpu.memory_space<vmem>>)
      tpu.yield
    }) : () -> ()
    %dma_start3A = arith.constant 0 : i32
    %dma_start3A_26 = arith.constant 0 : i32
    %dma_start3A_27 = arith.constant 0 : i32
    %dma_start3A_28 = tpu.memref_slice %arg10[%dma_start3A_26, %dma_start3A_27] : memref<512x32xf32, #tpu.memory_space<vmem>> -> memref<128x32xf32, #tpu.memory_space<vmem>>
    %dma_start3A_29 = arith.constant 0 : i32
    %dma_start3A_30 = tpu.memref_slice %arg8[%dma_start3A, %dma_start3A_29] : memref<4x128xi32, #tpu.memory_space<vmem>> -> memref<1x128xi32, #tpu.memory_space<vmem>>
    %dma_start3A_31 = tpu.memref_squeeze %dma_start3A_30 : memref<1x128xi32, #tpu.memory_space<vmem>> -> memref<128xi32, #tpu.memory_space<vmem>>
    %dma_start3A_32 = arith.constant 0 : i32
    %dma_start3A_33 = arith.constant 0 : i32
    %dma_start3A_34 = tpu.memref_slice %arg4[%dma_start3A_32, %dma_start3A_33] : memref<1000000x32xf32, #tpu.memory_space<hbm>> -> memref<1000000x32xf32, #tpu.memory_space<hbm>>
    tpu.enqueue_indirect_dma source(%dma_start3A_34 : memref<1000000x32xf32, #tpu.memory_space<hbm>>) target(%dma_start3A_28 : memref<128x32xf32, #tpu.memory_space<vmem>>) offsets(%dma_start3A_31 : memref<128xi32, #tpu.memory_space<vmem>>) semaphore(%arg14 : memref<!tpu.dma_semaphore, #tpu.memory_space<semaphore_mem>>)
    %dma_start3A_35 = arith.constant 0 : i32
    %dma_start3A_36 = arith.constant 0 : i32
    %dma_start3A_37 = arith.constant 0 : i32
    %dma_start3A_38 = tpu.memref_slice %arg11[%dma_start3A_36, %dma_start3A_37] : memref<512x32xf32, #tpu.memory_space<vmem>> -> memref<128x32xf32, #tpu.memory_space<vmem>>
    %dma_start3A_39 = arith.constant 0 : i32
    %dma_start3A_40 = tpu.memref_slice %arg9[%dma_start3A_35, %dma_start3A_39] : memref<4x128xi32, #tpu.memory_space<vmem>> -> memref<1x128xi32, #tpu.memory_space<vmem>>
    %dma_start3A_41 = tpu.memref_squeeze %dma_start3A_40 : memref<1x128xi32, #tpu.memory_space<vmem>> -> memref<128xi32, #tpu.memory_space<vmem>>
    %dma_start3A_42 = arith.constant 0 : i32
    %dma_start3A_43 = arith.constant 0 : i32
    %dma_start3A_44 = tpu.memref_slice %arg5[%dma_start3A_42, %dma_start3A_43] : memref<1000000x32xf32, #tpu.memory_space<hbm>> -> memref<1000000x32xf32, #tpu.memory_space<hbm>>
    tpu.enqueue_indirect_dma source(%dma_start3A_44 : memref<1000000x32xf32, #tpu.memory_space<hbm>>) target(%dma_start3A_38 : memref<128x32xf32, #tpu.memory_space<vmem>>) offsets(%dma_start3A_41 : memref<128xi32, #tpu.memory_space<vmem>>) semaphore(%arg14 : memref<!tpu.dma_semaphore, #tpu.memory_space<semaphore_mem>>)
    %dma_start3A_45 = arith.constant 1 : i32
    %dma_start3A_46 = arith.constant 128 : i32
    %dma_start3A_47 = arith.constant 0 : i32
    %dma_start3A_48 = tpu.memref_slice %arg10[%dma_start3A_46, %dma_start3A_47] : memref<512x32xf32, #tpu.memory_space<vmem>> -> memref<128x32xf32, #tpu.memory_space<vmem>>
    %dma_start3A_49 = arith.constant 0 : i32
    %dma_start3A_50 = tpu.memref_slice %arg8[%dma_start3A_45, %dma_start3A_49] : memref<4x128xi32, #tpu.memory_space<vmem>> -> memref<1x128xi32, #tpu.memory_space<vmem>>
    %dma_start3A_51 = tpu.memref_squeeze %dma_start3A_50 : memref<1x128xi32, #tpu.memory_space<vmem>> -> memref<128xi32, #tpu.memory_space<vmem>>
    %dma_start3A_52 = arith.constant 0 : i32
    %dma_start3A_53 = arith.constant 0 : i32
    %dma_start3A_54 = tpu.memref_slice %arg4[%dma_start3A_52, %dma_start3A_53] : memref<1000000x32xf32, #tpu.memory_space<hbm>> -> memref<1000000x32xf32, #tpu.memory_space<hbm>>
    tpu.enqueue_indirect_dma source(%dma_start3A_54 : memref<1000000x32xf32, #tpu.memory_space<hbm>>) target(%dma_start3A_48 : memref<128x32xf32, #tpu.memory_space<vmem>>) offsets(%dma_start3A_51 : memref<128xi32, #tpu.memory_space<vmem>>) semaphore(%arg14 : memref<!tpu.dma_semaphore, #tpu.memory_space<semaphore_mem>>)
    %dma_start3A_55 = arith.constant 1 : i32
    %dma_start3A_56 = arith.constant 128 : i32
    %dma_start3A_57 = arith.constant 0 : i32
    %dma_start3A_58 = tpu.memref_slice %arg11[%dma_start3A_56, %dma_start3A_57] : memref<512x32xf32, #tpu.memory_space<vmem>> -> memref<128x32xf32, #tpu.memory_space<vmem>>
    %dma_start3A_59 = arith.constant 0 : i32
    %dma_start3A_60 = tpu.memref_slice %arg9[%dma_start3A_55, %dma_start3A_59] : memref<4x128xi32, #tpu.memory_space<vmem>> -> memref<1x128xi32, #tpu.memory_space<vmem>>
    %dma_start3A_61 = tpu.memref_squeeze %dma_start3A_60 : memref<1x128xi32, #tpu.memory_space<vmem>> -> memref<128xi32, #tpu.memory_space<vmem>>
    %dma_start3A_62 = arith.constant 0 : i32
    %dma_start3A_63 = arith.constant 0 : i32
    %dma_start3A_64 = tpu.memref_slice %arg5[%dma_start3A_62, %dma_start3A_63] : memref<1000000x32xf32, #tpu.memory_space<hbm>> -> memref<1000000x32xf32, #tpu.memory_space<hbm>>
    tpu.enqueue_indirect_dma source(%dma_start3A_64 : memref<1000000x32xf32, #tpu.memory_space<hbm>>) target(%dma_start3A_58 : memref<128x32xf32, #tpu.memory_space<vmem>>) offsets(%dma_start3A_61 : memref<128xi32, #tpu.memory_space<vmem>>) semaphore(%arg14 : memref<!tpu.dma_semaphore, #tpu.memory_space<semaphore_mem>>)
    %dma_start3A_65 = arith.constant 2 : i32
    %dma_start3A_66 = arith.constant 256 : i32
    %dma_start3A_67 = arith.constant 0 : i32
    %dma_start3A_68 = tpu.memref_slice %arg10[%dma_start3A_66, %dma_start3A_67] : memref<512x32xf32, #tpu.memory_space<vmem>> -> memref<128x32xf32, #tpu.memory_space<vmem>>
    %dma_start3A_69 = arith.constant 0 : i32
    %dma_start3A_70 = tpu.memref_slice %arg8[%dma_start3A_65, %dma_start3A_69] : memref<4x128xi32, #tpu.memory_space<vmem>> -> memref<1x128xi32, #tpu.memory_space<vmem>>
    %dma_start3A_71 = tpu.memref_squeeze %dma_start3A_70 : memref<1x128xi32, #tpu.memory_space<vmem>> -> memref<128xi32, #tpu.memory_space<vmem>>
    %dma_start3A_72 = arith.constant 0 : i32
    %dma_start3A_73 = arith.constant 0 : i32
    %dma_start3A_74 = tpu.memref_slice %arg4[%dma_start3A_72, %dma_start3A_73] : memref<1000000x32xf32, #tpu.memory_space<hbm>> -> memref<1000000x32xf32, #tpu.memory_space<hbm>>
    tpu.enqueue_indirect_dma source(%dma_start3A_74 : memref<1000000x32xf32, #tpu.memory_space<hbm>>) target(%dma_start3A_68 : memref<128x32xf32, #tpu.memory_space<vmem>>) offsets(%dma_start3A_71 : memref<128xi32, #tpu.memory_space<vmem>>) semaphore(%arg14 : memref<!tpu.dma_semaphore, #tpu.memory_space<semaphore_mem>>)
    %dma_start3A_75 = arith.constant 2 : i32
    %dma_start3A_76 = arith.constant 256 : i32
    %dma_start3A_77 = arith.constant 0 : i32
    %dma_start3A_78 = tpu.memref_slice %arg11[%dma_start3A_76, %dma_start3A_77] : memref<512x32xf32, #tpu.memory_space<vmem>> -> memref<128x32xf32, #tpu.memory_space<vmem>>
    %dma_start3A_79 = arith.constant 0 : i32
    %dma_start3A_80 = tpu.memref_slice %arg9[%dma_start3A_75, %dma_start3A_79] : memref<4x128xi32, #tpu.memory_space<vmem>> -> memref<1x128xi32, #tpu.memory_space<vmem>>
    %dma_start3A_81 = tpu.memref_squeeze %dma_start3A_80 : memref<1x128xi32, #tpu.memory_space<vmem>> -> memref<128xi32, #tpu.memory_space<vmem>>
    %dma_start3A_82 = arith.constant 0 : i32
    %dma_start3A_83 = arith.constant 0 : i32
    %dma_start3A_84 = tpu.memref_slice %arg5[%dma_start3A_82, %dma_start3A_83] : memref<1000000x32xf32, #tpu.memory_space<hbm>> -> memref<1000000x32xf32, #tpu.memory_space<hbm>>
    tpu.enqueue_indirect_dma source(%dma_start3A_84 : memref<1000000x32xf32, #tpu.memory_space<hbm>>) target(%dma_start3A_78 : memref<128x32xf32, #tpu.memory_space<vmem>>) offsets(%dma_start3A_81 : memref<128xi32, #tpu.memory_space<vmem>>) semaphore(%arg14 : memref<!tpu.dma_semaphore, #tpu.memory_space<semaphore_mem>>)
    %dma_start3A_85 = arith.constant 3 : i32
    %dma_start3A_86 = arith.constant 384 : i32
    %dma_start3A_87 = arith.constant 0 : i32
    %dma_start3A_88 = tpu.memref_slice %arg10[%dma_start3A_86, %dma_start3A_87] : memref<512x32xf32, #tpu.memory_space<vmem>> -> memref<128x32xf32, #tpu.memory_space<vmem>>
    %dma_start3A_89 = arith.constant 0 : i32
    %dma_start3A_90 = tpu.memref_slice %arg8[%dma_start3A_85, %dma_start3A_89] : memref<4x128xi32, #tpu.memory_space<vmem>> -> memref<1x128xi32, #tpu.memory_space<vmem>>
    %dma_start3A_91 = tpu.memref_squeeze %dma_start3A_90 : memref<1x128xi32, #tpu.memory_space<vmem>> -> memref<128xi32, #tpu.memory_space<vmem>>
    %dma_start3A_92 = arith.constant 0 : i32
    %dma_start3A_93 = arith.constant 0 : i32
    %dma_start3A_94 = tpu.memref_slice %arg4[%dma_start3A_92, %dma_start3A_93] : memref<1000000x32xf32, #tpu.memory_space<hbm>> -> memref<1000000x32xf32, #tpu.memory_space<hbm>>
    tpu.enqueue_indirect_dma source(%dma_start3A_94 : memref<1000000x32xf32, #tpu.memory_space<hbm>>) target(%dma_start3A_88 : memref<128x32xf32, #tpu.memory_space<vmem>>) offsets(%dma_start3A_91 : memref<128xi32, #tpu.memory_space<vmem>>) semaphore(%arg14 : memref<!tpu.dma_semaphore, #tpu.memory_space<semaphore_mem>>)
    %dma_start3A_95 = arith.constant 3 : i32
    %dma_start3A_96 = arith.constant 384 : i32
    %dma_start3A_97 = arith.constant 0 : i32
    %dma_start3A_98 = tpu.memref_slice %arg11[%dma_start3A_96, %dma_start3A_97] : memref<512x32xf32, #tpu.memory_space<vmem>> -> memref<128x32xf32, #tpu.memory_space<vmem>>
    %dma_start3A_99 = arith.constant 0 : i32
    %dma_start3A_100 = tpu.memref_slice %arg9[%dma_start3A_95, %dma_start3A_99] : memref<4x128xi32, #tpu.memory_space<vmem>> -> memref<1x128xi32, #tpu.memory_space<vmem>>
    %dma_start3A_101 = tpu.memref_squeeze %dma_start3A_100 : memref<1x128xi32, #tpu.memory_space<vmem>> -> memref<128xi32, #tpu.memory_space<vmem>>
    %dma_start3A_102 = arith.constant 0 : i32
    %dma_start3A_103 = arith.constant 0 : i32
    %dma_start3A_104 = tpu.memref_slice %arg5[%dma_start3A_102, %dma_start3A_103] : memref<1000000x32xf32, #tpu.memory_space<hbm>> -> memref<1000000x32xf32, #tpu.memory_space<hbm>>
    tpu.enqueue_indirect_dma source(%dma_start3A_104 : memref<1000000x32xf32, #tpu.memory_space<hbm>>) target(%dma_start3A_98 : memref<128x32xf32, #tpu.memory_space<vmem>>) offsets(%dma_start3A_101 : memref<128xi32, #tpu.memory_space<vmem>>) semaphore(%arg14 : memref<!tpu.dma_semaphore, #tpu.memory_space<semaphore_mem>>)
    %dma_wait3A = arith.constant 0 : i32
    %dma_wait3A_105 = arith.constant 0 : i32
    %dma_wait3A_106 = arith.constant 0 : i32
    %dma_wait3A_107 = tpu.memref_slice %arg10[%dma_wait3A_105, %dma_wait3A_106] : memref<512x32xf32, #tpu.memory_space<vmem>> -> memref<128x32xf32, #tpu.memory_space<vmem>>
    %dma_wait3A_108 = arith.constant 0 : i32
    %dma_wait3A_109 = tpu.memref_slice %arg8[%dma_wait3A, %dma_wait3A_108] : memref<4x128xi32, #tpu.memory_space<vmem>> -> memref<1x128xi32, #tpu.memory_space<vmem>>
    %dma_wait3A_110 = tpu.memref_squeeze %dma_wait3A_109 : memref<1x128xi32, #tpu.memory_space<vmem>> -> memref<128xi32, #tpu.memory_space<vmem>>
    %dma_wait3A_111 = arith.constant 0 : i32
    %dma_wait3A_112 = arith.constant 0 : i32
    %dma_wait3A_113 = tpu.memref_slice %arg4[%dma_wait3A_111, %dma_wait3A_112] : memref<1000000x32xf32, #tpu.memory_space<hbm>> -> memref<1000000x32xf32, #tpu.memory_space<hbm>>
    tpu.wait_indirect_dma semaphore(%arg14 : memref<!tpu.dma_semaphore, #tpu.memory_space<semaphore_mem>>) src(%dma_wait3A_113 : memref<1000000x32xf32, #tpu.memory_space<hbm>>) dst(%dma_wait3A_107 : memref<128x32xf32, #tpu.memory_space<vmem>>)
    %dma_wait3A_114 = arith.constant 0 : i32
    %dma_wait3A_115 = arith.constant 0 : i32
    %dma_wait3A_116 = arith.constant 0 : i32
    %dma_wait3A_117 = tpu.memref_slice %arg11[%dma_wait3A_115, %dma_wait3A_116] : memref<512x32xf32, #tpu.memory_space<vmem>> -> memref<128x32xf32, #tpu.memory_space<vmem>>
    %dma_wait3A_118 = arith.constant 0 : i32
    %dma_wait3A_119 = tpu.memref_slice %arg9[%dma_wait3A_114, %dma_wait3A_118] : memref<4x128xi32, #tpu.memory_space<vmem>> -> memref<1x128xi32, #tpu.memory_space<vmem>>
    %dma_wait3A_120 = tpu.memref_squeeze %dma_wait3A_119 : memref<1x128xi32, #tpu.memory_space<vmem>> -> memref<128xi32, #tpu.memory_space<vmem>>
    %dma_wait3A_121 = arith.constant 0 : i32
    %dma_wait3A_122 = arith.constant 0 : i32
    %dma_wait3A_123 = tpu.memref_slice %arg5[%dma_wait3A_121, %dma_wait3A_122] : memref<1000000x32xf32, #tpu.memory_space<hbm>> -> memref<1000000x32xf32, #tpu.memory_space<hbm>>
    tpu.wait_indirect_dma semaphore(%arg14 : memref<!tpu.dma_semaphore, #tpu.memory_space<semaphore_mem>>) src(%dma_wait3A_123 : memref<1000000x32xf32, #tpu.memory_space<hbm>>) dst(%dma_wait3A_117 : memref<128x32xf32, #tpu.memory_space<vmem>>)
    %dma_wait3A_124 = arith.constant 1 : i32
    %dma_wait3A_125 = arith.constant 128 : i32
    %dma_wait3A_126 = arith.constant 0 : i32
    %dma_wait3A_127 = tpu.memref_slice %arg10[%dma_wait3A_125, %dma_wait3A_126] : memref<512x32xf32, #tpu.memory_space<vmem>> -> memref<128x32xf32, #tpu.memory_space<vmem>>
    %dma_wait3A_128 = arith.constant 0 : i32
    %dma_wait3A_129 = tpu.memref_slice %arg8[%dma_wait3A_124, %dma_wait3A_128] : memref<4x128xi32, #tpu.memory_space<vmem>> -> memref<1x128xi32, #tpu.memory_space<vmem>>
    %dma_wait3A_130 = tpu.memref_squeeze %dma_wait3A_129 : memref<1x128xi32, #tpu.memory_space<vmem>> -> memref<128xi32, #tpu.memory_space<vmem>>
    %dma_wait3A_131 = arith.constant 0 : i32
    %dma_wait3A_132 = arith.constant 0 : i32
    %dma_wait3A_133 = tpu.memref_slice %arg4[%dma_wait3A_131, %dma_wait3A_132] : memref<1000000x32xf32, #tpu.memory_space<hbm>> -> memref<1000000x32xf32, #tpu.memory_space<hbm>>
    tpu.wait_indirect_dma semaphore(%arg14 : memref<!tpu.dma_semaphore, #tpu.memory_space<semaphore_mem>>) src(%dma_wait3A_133 : memref<1000000x32xf32, #tpu.memory_space<hbm>>) dst(%dma_wait3A_127 : memref<128x32xf32, #tpu.memory_space<vmem>>)
    %dma_wait3A_134 = arith.constant 1 : i32
    %dma_wait3A_135 = arith.constant 128 : i32
    %dma_wait3A_136 = arith.constant 0 : i32
    %dma_wait3A_137 = tpu.memref_slice %arg11[%dma_wait3A_135, %dma_wait3A_136] : memref<512x32xf32, #tpu.memory_space<vmem>> -> memref<128x32xf32, #tpu.memory_space<vmem>>
    %dma_wait3A_138 = arith.constant 0 : i32
    %dma_wait3A_139 = tpu.memref_slice %arg9[%dma_wait3A_134, %dma_wait3A_138] : memref<4x128xi32, #tpu.memory_space<vmem>> -> memref<1x128xi32, #tpu.memory_space<vmem>>
    %dma_wait3A_140 = tpu.memref_squeeze %dma_wait3A_139 : memref<1x128xi32, #tpu.memory_space<vmem>> -> memref<128xi32, #tpu.memory_space<vmem>>
    %dma_wait3A_141 = arith.constant 0 : i32
    %dma_wait3A_142 = arith.constant 0 : i32
    %dma_wait3A_143 = tpu.memref_slice %arg5[%dma_wait3A_141, %dma_wait3A_142] : memref<1000000x32xf32, #tpu.memory_space<hbm>> -> memref<1000000x32xf32, #tpu.memory_space<hbm>>
    tpu.wait_indirect_dma semaphore(%arg14 : memref<!tpu.dma_semaphore, #tpu.memory_space<semaphore_mem>>) src(%dma_wait3A_143 : memref<1000000x32xf32, #tpu.memory_space<hbm>>) dst(%dma_wait3A_137 : memref<128x32xf32, #tpu.memory_space<vmem>>)
    %dma_wait3A_144 = arith.constant 2 : i32
    %dma_wait3A_145 = arith.constant 256 : i32
    %dma_wait3A_146 = arith.constant 0 : i32
    %dma_wait3A_147 = tpu.memref_slice %arg10[%dma_wait3A_145, %dma_wait3A_146] : memref<512x32xf32, #tpu.memory_space<vmem>> -> memref<128x32xf32, #tpu.memory_space<vmem>>
    %dma_wait3A_148 = arith.constant 0 : i32
    %dma_wait3A_149 = tpu.memref_slice %arg8[%dma_wait3A_144, %dma_wait3A_148] : memref<4x128xi32, #tpu.memory_space<vmem>> -> memref<1x128xi32, #tpu.memory_space<vmem>>
    %dma_wait3A_150 = tpu.memref_squeeze %dma_wait3A_149 : memref<1x128xi32, #tpu.memory_space<vmem>> -> memref<128xi32, #tpu.memory_space<vmem>>
    %dma_wait3A_151 = arith.constant 0 : i32
    %dma_wait3A_152 = arith.constant 0 : i32
    %dma_wait3A_153 = tpu.memref_slice %arg4[%dma_wait3A_151, %dma_wait3A_152] : memref<1000000x32xf32, #tpu.memory_space<hbm>> -> memref<1000000x32xf32, #tpu.memory_space<hbm>>
    tpu.wait_indirect_dma semaphore(%arg14 : memref<!tpu.dma_semaphore, #tpu.memory_space<semaphore_mem>>) src(%dma_wait3A_153 : memref<1000000x32xf32, #tpu.memory_space<hbm>>) dst(%dma_wait3A_147 : memref<128x32xf32, #tpu.memory_space<vmem>>)
    %dma_wait3A_154 = arith.constant 2 : i32
    %dma_wait3A_155 = arith.constant 256 : i32
    %dma_wait3A_156 = arith.constant 0 : i32
    %dma_wait3A_157 = tpu.memref_slice %arg11[%dma_wait3A_155, %dma_wait3A_156] : memref<512x32xf32, #tpu.memory_space<vmem>> -> memref<128x32xf32, #tpu.memory_space<vmem>>
    %dma_wait3A_158 = arith.constant 0 : i32
    %dma_wait3A_159 = tpu.memref_slice %arg9[%dma_wait3A_154, %dma_wait3A_158] : memref<4x128xi32, #tpu.memory_space<vmem>> -> memref<1x128xi32, #tpu.memory_space<vmem>>
    %dma_wait3A_160 = tpu.memref_squeeze %dma_wait3A_159 : memref<1x128xi32, #tpu.memory_space<vmem>> -> memref<128xi32, #tpu.memory_space<vmem>>
    %dma_wait3A_161 = arith.constant 0 : i32
    %dma_wait3A_162 = arith.constant 0 : i32
    %dma_wait3A_163 = tpu.memref_slice %arg5[%dma_wait3A_161, %dma_wait3A_162] : memref<1000000x32xf32, #tpu.memory_space<hbm>> -> memref<1000000x32xf32, #tpu.memory_space<hbm>>
    tpu.wait_indirect_dma semaphore(%arg14 : memref<!tpu.dma_semaphore, #tpu.memory_space<semaphore_mem>>) src(%dma_wait3A_163 : memref<1000000x32xf32, #tpu.memory_space<hbm>>) dst(%dma_wait3A_157 : memref<128x32xf32, #tpu.memory_space<vmem>>)
    %dma_wait3A_164 = arith.constant 3 : i32
    %dma_wait3A_165 = arith.constant 384 : i32
    %dma_wait3A_166 = arith.constant 0 : i32
    %dma_wait3A_167 = tpu.memref_slice %arg10[%dma_wait3A_165, %dma_wait3A_166] : memref<512x32xf32, #tpu.memory_space<vmem>> -> memref<128x32xf32, #tpu.memory_space<vmem>>
    %dma_wait3A_168 = arith.constant 0 : i32
    %dma_wait3A_169 = tpu.memref_slice %arg8[%dma_wait3A_164, %dma_wait3A_168] : memref<4x128xi32, #tpu.memory_space<vmem>> -> memref<1x128xi32, #tpu.memory_space<vmem>>
    %dma_wait3A_170 = tpu.memref_squeeze %dma_wait3A_169 : memref<1x128xi32, #tpu.memory_space<vmem>> -> memref<128xi32, #tpu.memory_space<vmem>>
    %dma_wait3A_171 = arith.constant 0 : i32
    %dma_wait3A_172 = arith.constant 0 : i32
    %dma_wait3A_173 = tpu.memref_slice %arg4[%dma_wait3A_171, %dma_wait3A_172] : memref<1000000x32xf32, #tpu.memory_space<hbm>> -> memref<1000000x32xf32, #tpu.memory_space<hbm>>
    tpu.wait_indirect_dma semaphore(%arg14 : memref<!tpu.dma_semaphore, #tpu.memory_space<semaphore_mem>>) src(%dma_wait3A_173 : memref<1000000x32xf32, #tpu.memory_space<hbm>>) dst(%dma_wait3A_167 : memref<128x32xf32, #tpu.memory_space<vmem>>)
    %dma_wait3A_174 = arith.constant 3 : i32
    %dma_wait3A_175 = arith.constant 384 : i32
    %dma_wait3A_176 = arith.constant 0 : i32
    %dma_wait3A_177 = tpu.memref_slice %arg11[%dma_wait3A_175, %dma_wait3A_176] : memref<512x32xf32, #tpu.memory_space<vmem>> -> memref<128x32xf32, #tpu.memory_space<vmem>>
    %dma_wait3A_178 = arith.constant 0 : i32
    %dma_wait3A_179 = tpu.memref_slice %arg9[%dma_wait3A_174, %dma_wait3A_178] : memref<4x128xi32, #tpu.memory_space<vmem>> -> memref<1x128xi32, #tpu.memory_space<vmem>>
    %dma_wait3A_180 = tpu.memref_squeeze %dma_wait3A_179 : memref<1x128xi32, #tpu.memory_space<vmem>> -> memref<128xi32, #tpu.memory_space<vmem>>
    %dma_wait3A_181 = arith.constant 0 : i32
    %dma_wait3A_182 = arith.constant 0 : i32
    %dma_wait3A_183 = tpu.memref_slice %arg5[%dma_wait3A_181, %dma_wait3A_182] : memref<1000000x32xf32, #tpu.memory_space<hbm>> -> memref<1000000x32xf32, #tpu.memory_space<hbm>>
    tpu.wait_indirect_dma semaphore(%arg14 : memref<!tpu.dma_semaphore, #tpu.memory_space<semaphore_mem>>) src(%dma_wait3A_183 : memref<1000000x32xf32, #tpu.memory_space<hbm>>) dst(%dma_wait3A_177 : memref<128x32xf32, #tpu.memory_space<vmem>>)
    %get3A = arith.constant 0 : index
    %get3A_184 = tpu.vector_load %arg12[%get3A] {strides = array<i32>} : memref<48xf32, #tpu.memory_space<vmem>>, vector<16xf32>,
    %get3A_185 = arith.constant 16 : index
    %get3A_186 = tpu.vector_load %arg12[%get3A_185] {strides = array<i32>} : memref<48xf32, #tpu.memory_space<vmem>>, vector<16xf32>,
    %get3A_187 = arith.constant 32 : index
    %get3A_188 = tpu.vector_load %arg12[%get3A_187] {strides = array<i32>} : memref<48xf32, #tpu.memory_space<vmem>>, vector<16xf32>,
    %broadcast_in_dim3A = arith.constant 0 : i32
    %broadcast_in_dim3A_189 = vector.broadcast %broadcast_in_dim3A : i32 to vector<16xi32>
    %lt3A = arith.constant 0 : i32
    %lt3A_190 = vector.broadcast %lt3A : i32 to vector<16xi32>
    %lt3A_191 = arith.cmpi slt, %broadcast_in_dim3A_189, %lt3A_190 : vector<16xi32>
    %add3A_192 = arith.constant 16 : i32
    %add3A_193 = vector.broadcast %add3A_192 : i32 to vector<16xi32>
    %add3A_194 = arith.addi %broadcast_in_dim3A_189, %add3A_193 : vector<16xi32>
    %select_n3A = arith.select %lt3A_191, %add3A_194, %broadcast_in_dim3A_189 : vector<16xi1>, vector<16xi32>
    %reshape3A = vector.shape_cast %select_n3A : vector<16xi32> to vector<16x1xi32>
    %gather3A = vector.shape_cast %reshape3A : vector<16x1xi32> to vector<16xi32>
    %gather3A_195 = tpu.dynamic_gather %get3A_188[%gather3A] in [0] : vector<16xf32>, vector<16xi32> -> vector<16xf32>
    %scan3A = arith.constant 0 : i32
    %scan3A_196 = arith.constant 0 : i32
    %scan3A_197 = arith.constant 32 : i32
    %scan3A_198 = arith.addi %scan3A_196, %scan3A_197 : i32
    %scan3A_199 = arith.constant 1 : i32
    scf.for %scan3A_201 = %scan3A_196 to %scan3A_198 step %scan3A_199  : i32 {
      %mul3A_202 = arith.constant 16 : i32
      %mul3A_203 = arith.muli %scan3A_201, %mul3A_202 : i32
      %iota3A = tpu.iota {dimensions = array<i32: 0>} : vector<16xi32>
      %add3A_204 = vector.broadcast %mul3A_203 : i32 to vector<16xi32>
      %add3A_205 = arith.addi %add3A_204, %iota3A : vector<16xi32>
      %broadcast_in_dim3A_206 = arith.constant 0.000000e+00 : f32
      %broadcast_in_dim3A_207 = vector.broadcast %broadcast_in_dim3A_206 : f32 to vector<16xf32>
      %broadcast_in_dim3A_208 = arith.constant 0 : i32
      %broadcast_in_dim3A_209 = vector.broadcast %broadcast_in_dim3A_208 : i32 to vector<16xi32>
      %gather3A_210 = tpu.vector_load_idx %arg10[%add3A_205, %broadcast_in_dim3A_209] : memref<512x32xf32, #tpu.memory_space<vmem>>[vector<16xi32>, vector<16xi32>], vector<16xf32>,
      %gather3A_211 = tpu.vector_load_idx %arg11[%add3A_205, %broadcast_in_dim3A_209] : memref<512x32xf32, #tpu.memory_space<vmem>>[vector<16xi32>, vector<16xi32>], vector<16xf32>,
      %broadcast_in_dim3A_212 = arith.constant 0 : i32
      %broadcast_in_dim3A_213 = vector.broadcast %broadcast_in_dim3A_212 : i32 to vector<16xi32>
      %lt3A_214 = arith.constant 0 : i32
      %lt3A_215 = vector.broadcast %lt3A_214 : i32 to vector<16xi32>
      %lt3A_216 = arith.cmpi slt, %broadcast_in_dim3A_213, %lt3A_215 : vector<16xi32>
      %add3A_217 = arith.constant 16 : i32
      %add3A_218 = vector.broadcast %add3A_217 : i32 to vector<16xi32>
      %add3A_219 = arith.addi %broadcast_in_dim3A_213, %add3A_218 : vector<16xi32>
      %select_n3A_220 = arith.select %lt3A_216, %add3A_219, %broadcast_in_dim3A_213 : vector<16xi1>, vector<16xi32>
      %reshape3A_221 = vector.shape_cast %select_n3A_220 : vector<16xi32> to vector<16x1xi32>
      %gather3A_222 = vector.shape_cast %reshape3A_221 : vector<16x1xi32> to vector<16xi32>
      %gather3A_223 = tpu.dynamic_gather %get3A_184[%gather3A_222] in [0] : vector<16xf32>, vector<16xi32> -> vector<16xf32>
      %mul3A_224 = arith.mulf %gather3A_210, %gather3A_211 : vector<16xf32>
      %mul3A_225 = arith.mulf %mul3A_224, %gather3A_223 : vector<16xf32>
      %add3A_226 = arith.addf %broadcast_in_dim3A_207, %mul3A_225 : vector<16xf32>
      %broadcast_in_dim3A_227 = arith.constant 1 : i32
      %broadcast_in_dim3A_228 = vector.broadcast %broadcast_in_dim3A_227 : i32 to vector<16xi32>
      %gather3A_229 = tpu.vector_load_idx %arg10[%add3A_205, %broadcast_in_dim3A_228] : memref<512x32xf32, #tpu.memory_space<vmem>>[vector<16xi32>, vector<16xi32>], vector<16xf32>,
      %gather3A_230 = tpu.vector_load_idx %arg11[%add3A_205, %broadcast_in_dim3A_228] : memref<512x32xf32, #tpu.memory_space<vmem>>[vector<16xi32>, vector<16xi32>], vector<16xf32>,
      %broadcast_in_dim3A_231 = arith.constant 1 : i32
      %broadcast_in_dim3A_232 = vector.broadcast %broadcast_in_dim3A_231 : i32 to vector<16xi32>
      %lt3A_233 = arith.constant 0 : i32
      %lt3A_234 = vector.broadcast %lt3A_233 : i32 to vector<16xi32>
      %lt3A_235 = arith.cmpi slt, %broadcast_in_dim3A_232, %lt3A_234 : vector<16xi32>
      %add3A_236 = arith.constant 16 : i32
      %add3A_237 = vector.broadcast %add3A_236 : i32 to vector<16xi32>
      %add3A_238 = arith.addi %broadcast_in_dim3A_232, %add3A_237 : vector<16xi32>
      %select_n3A_239 = arith.select %lt3A_235, %add3A_238, %broadcast_in_dim3A_232 : vector<16xi1>, vector<16xi32>
      %reshape3A_240 = vector.shape_cast %select_n3A_239 : vector<16xi32> to vector<16x1xi32>
      %gather3A_241 = vector.shape_cast %reshape3A_240 : vector<16x1xi32> to vector<16xi32>
      %gather3A_242 = tpu.dynamic_gather %get3A_184[%gather3A_241] in [0] : vector<16xf32>, vector<16xi32> -> vector<16xf32>
      %mul3A_243 = arith.mulf %gather3A_229, %gather3A_230 : vector<16xf32>
      %mul3A_244 = arith.mulf %mul3A_243, %gather3A_242 : vector<16xf32>
      %add3A_245 = arith.addf %add3A_226, %mul3A_244 : vector<16xf32>
      %broadcast_in_dim3A_246 = arith.constant 2 : i32
      %broadcast_in_dim3A_247 = vector.broadcast %broadcast_in_dim3A_246 : i32 to vector<16xi32>
      %gather3A_248 = tpu.vector_load_idx %arg10[%add3A_205, %broadcast_in_dim3A_247] : memref<512x32xf32, #tpu.memory_space<vmem>>[vector<16xi32>, vector<16xi32>], vector<16xf32>,
      %gather3A_249 = tpu.vector_load_idx %arg11[%add3A_205, %broadcast_in_dim3A_247] : memref<512x32xf32, #tpu.memory_space<vmem>>[vector<16xi32>, vector<16xi32>], vector<16xf32>,
      %broadcast_in_dim3A_250 = arith.constant 2 : i32
      %broadcast_in_dim3A_251 = vector.broadcast %broadcast_in_dim3A_250 : i32 to vector<16xi32>
      %lt3A_252 = arith.constant 0 : i32
      %lt3A_253 = vector.broadcast %lt3A_252 : i32 to vector<16xi32>
      %lt3A_254 = arith.cmpi slt, %broadcast_in_dim3A_251, %lt3A_253 : vector<16xi32>
      %add3A_255 = arith.constant 16 : i32
      %add3A_256 = vector.broadcast %add3A_255 : i32 to vector<16xi32>
      %add3A_257 = arith.addi %broadcast_in_dim3A_251, %add3A_256 : vector<16xi32>
      %select_n3A_258 = arith.select %lt3A_254, %add3A_257, %broadcast_in_dim3A_251 : vector<16xi1>, vector<16xi32>
      %reshape3A_259 = vector.shape_cast %select_n3A_258 : vector<16xi32> to vector<16x1xi32>
      %gather3A_260 = vector.shape_cast %reshape3A_259 : vector<16x1xi32> to vector<16xi32>
      %gather3A_261 = tpu.dynamic_gather %get3A_184[%gather3A_260] in [0] : vector<16xf32>, vector<16xi32> -> vector<16xf32>
      %mul3A_262 = arith.mulf %gather3A_248, %gather3A_249 : vector<16xf32>
      %mul3A_263 = arith.mulf %mul3A_262, %gather3A_261 : vector<16xf32>
      %add3A_264 = arith.addf %add3A_245, %mul3A_263 : vector<16xf32>
      %broadcast_in_dim3A_265 = arith.constant 3 : i32
      %broadcast_in_dim3A_266 = vector.broadcast %broadcast_in_dim3A_265 : i32 to vector<16xi32>
      %gather3A_267 = tpu.vector_load_idx %arg10[%add3A_205, %broadcast_in_dim3A_266] : memref<512x32xf32, #tpu.memory_space<vmem>>[vector<16xi32>, vector<16xi32>], vector<16xf32>,
      %gather3A_268 = tpu.vector_load_idx %arg11[%add3A_205, %broadcast_in_dim3A_266] : memref<512x32xf32, #tpu.memory_space<vmem>>[vector<16xi32>, vector<16xi32>], vector<16xf32>,
      %broadcast_in_dim3A_269 = arith.constant 3 : i32
      %broadcast_in_dim3A_270 = vector.broadcast %broadcast_in_dim3A_269 : i32 to vector<16xi32>
      %lt3A_271 = arith.constant 0 : i32
      %lt3A_272 = vector.broadcast %lt3A_271 : i32 to vector<16xi32>
      %lt3A_273 = arith.cmpi slt, %broadcast_in_dim3A_270, %lt3A_272 : vector<16xi32>
      %add3A_274 = arith.constant 16 : i32
      %add3A_275 = vector.broadcast %add3A_274 : i32 to vector<16xi32>
      %add3A_276 = arith.addi %broadcast_in_dim3A_270, %add3A_275 : vector<16xi32>
      %select_n3A_277 = arith.select %lt3A_273, %add3A_276, %broadcast_in_dim3A_270 : vector<16xi1>, vector<16xi32>
      %reshape3A_278 = vector.shape_cast %select_n3A_277 : vector<16xi32> to vector<16x1xi32>
      %gather3A_279 = vector.shape_cast %reshape3A_278 : vector<16x1xi32> to vector<16xi32>
      %gather3A_280 = tpu.dynamic_gather %get3A_184[%gather3A_279] in [0] : vector<16xf32>, vector<16xi32> -> vector<16xf32>
      %mul3A_281 = arith.mulf %gather3A_267, %gather3A_268 : vector<16xf32>
      %mul3A_282 = arith.mulf %mul3A_281, %gather3A_280 : vector<16xf32>
      %add3A_283 = arith.addf %add3A_264, %mul3A_282 : vector<16xf32>
      %broadcast_in_dim3A_284 = arith.constant 4 : i32
      %broadcast_in_dim3A_285 = vector.broadcast %broadcast_in_dim3A_284 : i32 to vector<16xi32>
      %gather3A_286 = tpu.vector_load_idx %arg10[%add3A_205, %broadcast_in_dim3A_285] : memref<512x32xf32, #tpu.memory_space<vmem>>[vector<16xi32>, vector<16xi32>], vector<16xf32>,
      %gather3A_287 = tpu.vector_load_idx %arg11[%add3A_205, %broadcast_in_dim3A_285] : memref<512x32xf32, #tpu.memory_space<vmem>>[vector<16xi32>, vector<16xi32>], vector<16xf32>,
      %broadcast_in_dim3A_288 = arith.constant 4 : i32
      %broadcast_in_dim3A_289 = vector.broadcast %broadcast_in_dim3A_288 : i32 to vector<16xi32>
      %lt3A_290 = arith.constant 0 : i32
      %lt3A_291 = vector.broadcast %lt3A_290 : i32 to vector<16xi32>
      %lt3A_292 = arith.cmpi slt, %broadcast_in_dim3A_289, %lt3A_291 : vector<16xi32>
      %add3A_293 = arith.constant 16 : i32
      %add3A_294 = vector.broadcast %add3A_293 : i32 to vector<16xi32>
      %add3A_295 = arith.addi %broadcast_in_dim3A_289, %add3A_294 : vector<16xi32>
      %select_n3A_296 = arith.select %lt3A_292, %add3A_295, %broadcast_in_dim3A_289 : vector<16xi1>, vector<16xi32>
      %reshape3A_297 = vector.shape_cast %select_n3A_296 : vector<16xi32> to vector<16x1xi32>
      %gather3A_298 = vector.shape_cast %reshape3A_297 : vector<16x1xi32> to vector<16xi32>
      %gather3A_299 = tpu.dynamic_gather %get3A_184[%gather3A_298] in [0] : vector<16xf32>, vector<16xi32> -> vector<16xf32>
      %mul3A_300 = arith.mulf %gather3A_286, %gather3A_287 : vector<16xf32>
      %mul3A_301 = arith.mulf %mul3A_300, %gather3A_299 : vector<16xf32>
      %add3A_302 = arith.addf %add3A_283, %mul3A_301 : vector<16xf32>
      %broadcast_in_dim3A_303 = arith.constant 5 : i32
      %broadcast_in_dim3A_304 = vector.broadcast %broadcast_in_dim3A_303 : i32 to vector<16xi32>
      %gather3A_305 = tpu.vector_load_idx %arg10[%add3A_205, %broadcast_in_dim3A_304] : memref<512x32xf32, #tpu.memory_space<vmem>>[vector<16xi32>, vector<16xi32>], vector<16xf32>,
      %gather3A_306 = tpu.vector_load_idx %arg11[%add3A_205, %broadcast_in_dim3A_304] : memref<512x32xf32, #tpu.memory_space<vmem>>[vector<16xi32>, vector<16xi32>], vector<16xf32>,
      %broadcast_in_dim3A_307 = arith.constant 5 : i32
      %broadcast_in_dim3A_308 = vector.broadcast %broadcast_in_dim3A_307 : i32 to vector<16xi32>
      %lt3A_309 = arith.constant 0 : i32
      %lt3A_310 = vector.broadcast %lt3A_309 : i32 to vector<16xi32>
      %lt3A_311 = arith.cmpi slt, %broadcast_in_dim3A_308, %lt3A_310 : vector<16xi32>
      %add3A_312 = arith.constant 16 : i32
      %add3A_313 = vector.broadcast %add3A_312 : i32 to vector<16xi32>
      %add3A_314 = arith.addi %broadcast_in_dim3A_308, %add3A_313 : vector<16xi32>
      %select_n3A_315 = arith.select %lt3A_311, %add3A_314, %broadcast_in_dim3A_308 : vector<16xi1>, vector<16xi32>
      %reshape3A_316 = vector.shape_cast %select_n3A_315 : vector<16xi32> to vector<16x1xi32>
      %gather3A_317 = vector.shape_cast %reshape3A_316 : vector<16x1xi32> to vector<16xi32>
      %gather3A_318 = tpu.dynamic_gather %get3A_184[%gather3A_317] in [0] : vector<16xf32>, vector<16xi32> -> vector<16xf32>
      %mul3A_319 = arith.mulf %gather3A_305, %gather3A_306 : vector<16xf32>
      %mul3A_320 = arith.mulf %mul3A_319, %gather3A_318 : vector<16xf32>
      %add3A_321 = arith.addf %add3A_302, %mul3A_320 : vector<16xf32>
      %broadcast_in_dim3A_322 = arith.constant 6 : i32
      %broadcast_in_dim3A_323 = vector.broadcast %broadcast_in_dim3A_322 : i32 to vector<16xi32>
      %gather3A_324 = tpu.vector_load_idx %arg10[%add3A_205, %broadcast_in_dim3A_323] : memref<512x32xf32, #tpu.memory_space<vmem>>[vector<16xi32>, vector<16xi32>], vector<16xf32>,
      %gather3A_325 = tpu.vector_load_idx %arg11[%add3A_205, %broadcast_in_dim3A_323] : memref<512x32xf32, #tpu.memory_space<vmem>>[vector<16xi32>, vector<16xi32>], vector<16xf32>,
      %broadcast_in_dim3A_326 = arith.constant 6 : i32
      %broadcast_in_dim3A_327 = vector.broadcast %broadcast_in_dim3A_326 : i32 to vector<16xi32>
      %lt3A_328 = arith.constant 0 : i32
      %lt3A_329 = vector.broadcast %lt3A_328 : i32 to vector<16xi32>
      %lt3A_330 = arith.cmpi slt, %broadcast_in_dim3A_327, %lt3A_329 : vector<16xi32>
      %add3A_331 = arith.constant 16 : i32
      %add3A_332 = vector.broadcast %add3A_331 : i32 to vector<16xi32>
      %add3A_333 = arith.addi %broadcast_in_dim3A_327, %add3A_332 : vector<16xi32>
      %select_n3A_334 = arith.select %lt3A_330, %add3A_333, %broadcast_in_dim3A_327 : vector<16xi1>, vector<16xi32>
      %reshape3A_335 = vector.shape_cast %select_n3A_334 : vector<16xi32> to vector<16x1xi32>
      %gather3A_336 = vector.shape_cast %reshape3A_335 : vector<16x1xi32> to vector<16xi32>
      %gather3A_337 = tpu.dynamic_gather %get3A_184[%gather3A_336] in [0] : vector<16xf32>, vector<16xi32> -> vector<16xf32>
      %mul3A_338 = arith.mulf %gather3A_324, %gather3A_325 : vector<16xf32>
      %mul3A_339 = arith.mulf %mul3A_338, %gather3A_337 : vector<16xf32>
      %add3A_340 = arith.addf %add3A_321, %mul3A_339 : vector<16xf32>
      %broadcast_in_dim3A_341 = arith.constant 7 : i32
      %broadcast_in_dim3A_342 = vector.broadcast %broadcast_in_dim3A_341 : i32 to vector<16xi32>
      %gather3A_343 = tpu.vector_load_idx %arg10[%add3A_205, %broadcast_in_dim3A_342] : memref<512x32xf32, #tpu.memory_space<vmem>>[vector<16xi32>, vector<16xi32>], vector<16xf32>,
      %gather3A_344 = tpu.vector_load_idx %arg11[%add3A_205, %broadcast_in_dim3A_342] : memref<512x32xf32, #tpu.memory_space<vmem>>[vector<16xi32>, vector<16xi32>], vector<16xf32>,
      %broadcast_in_dim3A_345 = arith.constant 7 : i32
      %broadcast_in_dim3A_346 = vector.broadcast %broadcast_in_dim3A_345 : i32 to vector<16xi32>
      %lt3A_347 = arith.constant 0 : i32
      %lt3A_348 = vector.broadcast %lt3A_347 : i32 to vector<16xi32>
      %lt3A_349 = arith.cmpi slt, %broadcast_in_dim3A_346, %lt3A_348 : vector<16xi32>
      %add3A_350 = arith.constant 16 : i32
      %add3A_351 = vector.broadcast %add3A_350 : i32 to vector<16xi32>
      %add3A_352 = arith.addi %broadcast_in_dim3A_346, %add3A_351 : vector<16xi32>
      %select_n3A_353 = arith.select %lt3A_349, %add3A_352, %broadcast_in_dim3A_346 : vector<16xi1>, vector<16xi32>
      %reshape3A_354 = vector.shape_cast %select_n3A_353 : vector<16xi32> to vector<16x1xi32>
      %gather3A_355 = vector.shape_cast %reshape3A_354 : vector<16x1xi32> to vector<16xi32>
      %gather3A_356 = tpu.dynamic_gather %get3A_184[%gather3A_355] in [0] : vector<16xf32>, vector<16xi32> -> vector<16xf32>
      %mul3A_357 = arith.mulf %gather3A_343, %gather3A_344 : vector<16xf32>
      %mul3A_358 = arith.mulf %mul3A_357, %gather3A_356 : vector<16xf32>
      %add3A_359 = arith.addf %add3A_340, %mul3A_358 : vector<16xf32>
      %broadcast_in_dim3A_360 = arith.constant 8 : i32
      %broadcast_in_dim3A_361 = vector.broadcast %broadcast_in_dim3A_360 : i32 to vector<16xi32>
      %gather3A_362 = tpu.vector_load_idx %arg10[%add3A_205, %broadcast_in_dim3A_361] : memref<512x32xf32, #tpu.memory_space<vmem>>[vector<16xi32>, vector<16xi32>], vector<16xf32>,
      %gather3A_363 = tpu.vector_load_idx %arg11[%add3A_205, %broadcast_in_dim3A_361] : memref<512x32xf32, #tpu.memory_space<vmem>>[vector<16xi32>, vector<16xi32>], vector<16xf32>,
      %broadcast_in_dim3A_364 = arith.constant 8 : i32
      %broadcast_in_dim3A_365 = vector.broadcast %broadcast_in_dim3A_364 : i32 to vector<16xi32>
      %lt3A_366 = arith.constant 0 : i32
      %lt3A_367 = vector.broadcast %lt3A_366 : i32 to vector<16xi32>
      %lt3A_368 = arith.cmpi slt, %broadcast_in_dim3A_365, %lt3A_367 : vector<16xi32>
      %add3A_369 = arith.constant 16 : i32
      %add3A_370 = vector.broadcast %add3A_369 : i32 to vector<16xi32>
      %add3A_371 = arith.addi %broadcast_in_dim3A_365, %add3A_370 : vector<16xi32>
      %select_n3A_372 = arith.select %lt3A_368, %add3A_371, %broadcast_in_dim3A_365 : vector<16xi1>, vector<16xi32>
      %reshape3A_373 = vector.shape_cast %select_n3A_372 : vector<16xi32> to vector<16x1xi32>
      %gather3A_374 = vector.shape_cast %reshape3A_373 : vector<16x1xi32> to vector<16xi32>
      %gather3A_375 = tpu.dynamic_gather %get3A_184[%gather3A_374] in [0] : vector<16xf32>, vector<16xi32> -> vector<16xf32>
      %mul3A_376 = arith.mulf %gather3A_362, %gather3A_363 : vector<16xf32>
      %mul3A_377 = arith.mulf %mul3A_376, %gather3A_375 : vector<16xf32>
      %add3A_378 = arith.addf %add3A_359, %mul3A_377 : vector<16xf32>
      %broadcast_in_dim3A_379 = arith.constant 9 : i32
      %broadcast_in_dim3A_380 = vector.broadcast %broadcast_in_dim3A_379 : i32 to vector<16xi32>
      %gather3A_381 = tpu.vector_load_idx %arg10[%add3A_205, %broadcast_in_dim3A_380] : memref<512x32xf32, #tpu.memory_space<vmem>>[vector<16xi32>, vector<16xi32>], vector<16xf32>,
      %gather3A_382 = tpu.vector_load_idx %arg11[%add3A_205, %broadcast_in_dim3A_380] : memref<512x32xf32, #tpu.memory_space<vmem>>[vector<16xi32>, vector<16xi32>], vector<16xf32>,
      %broadcast_in_dim3A_383 = arith.constant 9 : i32
      %broadcast_in_dim3A_384 = vector.broadcast %broadcast_in_dim3A_383 : i32 to vector<16xi32>
      %lt3A_385 = arith.constant 0 : i32
      %lt3A_386 = vector.broadcast %lt3A_385 : i32 to vector<16xi32>
      %lt3A_387 = arith.cmpi slt, %broadcast_in_dim3A_384, %lt3A_386 : vector<16xi32>
      %add3A_388 = arith.constant 16 : i32
      %add3A_389 = vector.broadcast %add3A_388 : i32 to vector<16xi32>
      %add3A_390 = arith.addi %broadcast_in_dim3A_384, %add3A_389 : vector<16xi32>
      %select_n3A_391 = arith.select %lt3A_387, %add3A_390, %broadcast_in_dim3A_384 : vector<16xi1>, vector<16xi32>
      %reshape3A_392 = vector.shape_cast %select_n3A_391 : vector<16xi32> to vector<16x1xi32>
      %gather3A_393 = vector.shape_cast %reshape3A_392 : vector<16x1xi32> to vector<16xi32>
      %gather3A_394 = tpu.dynamic_gather %get3A_184[%gather3A_393] in [0] : vector<16xf32>, vector<16xi32> -> vector<16xf32>
      %mul3A_395 = arith.mulf %gather3A_381, %gather3A_382 : vector<16xf32>
      %mul3A_396 = arith.mulf %mul3A_395, %gather3A_394 : vector<16xf32>
      %add3A_397 = arith.addf %add3A_378, %mul3A_396 : vector<16xf32>
      %broadcast_in_dim3A_398 = arith.constant 10 : i32
      %broadcast_in_dim3A_399 = vector.broadcast %broadcast_in_dim3A_398 : i32 to vector<16xi32>
      %gather3A_400 = tpu.vector_load_idx %arg10[%add3A_205, %broadcast_in_dim3A_399] : memref<512x32xf32, #tpu.memory_space<vmem>>[vector<16xi32>, vector<16xi32>], vector<16xf32>,
      %gather3A_401 = tpu.vector_load_idx %arg11[%add3A_205, %broadcast_in_dim3A_399] : memref<512x32xf32, #tpu.memory_space<vmem>>[vector<16xi32>, vector<16xi32>], vector<16xf32>,
      %broadcast_in_dim3A_402 = arith.constant 10 : i32
      %broadcast_in_dim3A_403 = vector.broadcast %broadcast_in_dim3A_402 : i32 to vector<16xi32>
      %lt3A_404 = arith.constant 0 : i32
      %lt3A_405 = vector.broadcast %lt3A_404 : i32 to vector<16xi32>
      %lt3A_406 = arith.cmpi slt, %broadcast_in_dim3A_403, %lt3A_405 : vector<16xi32>
      %add3A_407 = arith.constant 16 : i32
      %add3A_408 = vector.broadcast %add3A_407 : i32 to vector<16xi32>
      %add3A_409 = arith.addi %broadcast_in_dim3A_403, %add3A_408 : vector<16xi32>
      %select_n3A_410 = arith.select %lt3A_406, %add3A_409, %broadcast_in_dim3A_403 : vector<16xi1>, vector<16xi32>
      %reshape3A_411 = vector.shape_cast %select_n3A_410 : vector<16xi32> to vector<16x1xi32>
      %gather3A_412 = vector.shape_cast %reshape3A_411 : vector<16x1xi32> to vector<16xi32>
      %gather3A_413 = tpu.dynamic_gather %get3A_184[%gather3A_412] in [0] : vector<16xf32>, vector<16xi32> -> vector<16xf32>
      %mul3A_414 = arith.mulf %gather3A_400, %gather3A_401 : vector<16xf32>
      %mul3A_415 = arith.mulf %mul3A_414, %gather3A_413 : vector<16xf32>
      %add3A_416 = arith.addf %add3A_397, %mul3A_415 : vector<16xf32>
      %broadcast_in_dim3A_417 = arith.constant 11 : i32
      %broadcast_in_dim3A_418 = vector.broadcast %broadcast_in_dim3A_417 : i32 to vector<16xi32>
      %gather3A_419 = tpu.vector_load_idx %arg10[%add3A_205, %broadcast_in_dim3A_418] : memref<512x32xf32, #tpu.memory_space<vmem>>[vector<16xi32>, vector<16xi32>], vector<16xf32>,
      %gather3A_420 = tpu.vector_load_idx %arg11[%add3A_205, %broadcast_in_dim3A_418] : memref<512x32xf32, #tpu.memory_space<vmem>>[vector<16xi32>, vector<16xi32>], vector<16xf32>,
      %broadcast_in_dim3A_421 = arith.constant 11 : i32
      %broadcast_in_dim3A_422 = vector.broadcast %broadcast_in_dim3A_421 : i32 to vector<16xi32>
      %lt3A_423 = arith.constant 0 : i32
      %lt3A_424 = vector.broadcast %lt3A_423 : i32 to vector<16xi32>
      %lt3A_425 = arith.cmpi slt, %broadcast_in_dim3A_422, %lt3A_424 : vector<16xi32>
      %add3A_426 = arith.constant 16 : i32
      %add3A_427 = vector.broadcast %add3A_426 : i32 to vector<16xi32>
      %add3A_428 = arith.addi %broadcast_in_dim3A_422, %add3A_427 : vector<16xi32>
      %select_n3A_429 = arith.select %lt3A_425, %add3A_428, %broadcast_in_dim3A_422 : vector<16xi1>, vector<16xi32>
      %reshape3A_430 = vector.shape_cast %select_n3A_429 : vector<16xi32> to vector<16x1xi32>
      %gather3A_431 = vector.shape_cast %reshape3A_430 : vector<16x1xi32> to vector<16xi32>
      %gather3A_432 = tpu.dynamic_gather %get3A_184[%gather3A_431] in [0] : vector<16xf32>, vector<16xi32> -> vector<16xf32>
      %mul3A_433 = arith.mulf %gather3A_419, %gather3A_420 : vector<16xf32>
      %mul3A_434 = arith.mulf %mul3A_433, %gather3A_432 : vector<16xf32>
      %add3A_435 = arith.addf %add3A_416, %mul3A_434 : vector<16xf32>
      %broadcast_in_dim3A_436 = arith.constant 12 : i32
      %broadcast_in_dim3A_437 = vector.broadcast %broadcast_in_dim3A_436 : i32 to vector<16xi32>
      %gather3A_438 = tpu.vector_load_idx %arg10[%add3A_205, %broadcast_in_dim3A_437] : memref<512x32xf32, #tpu.memory_space<vmem>>[vector<16xi32>, vector<16xi32>], vector<16xf32>,
      %gather3A_439 = tpu.vector_load_idx %arg11[%add3A_205, %broadcast_in_dim3A_437] : memref<512x32xf32, #tpu.memory_space<vmem>>[vector<16xi32>, vector<16xi32>], vector<16xf32>,
      %broadcast_in_dim3A_440 = arith.constant 12 : i32
      %broadcast_in_dim3A_441 = vector.broadcast %broadcast_in_dim3A_440 : i32 to vector<16xi32>
      %lt3A_442 = arith.constant 0 : i32
      %lt3A_443 = vector.broadcast %lt3A_442 : i32 to vector<16xi32>
      %lt3A_444 = arith.cmpi slt, %broadcast_in_dim3A_441, %lt3A_443 : vector<16xi32>
      %add3A_445 = arith.constant 16 : i32
      %add3A_446 = vector.broadcast %add3A_445 : i32 to vector<16xi32>
      %add3A_447 = arith.addi %broadcast_in_dim3A_441, %add3A_446 : vector<16xi32>
      %select_n3A_448 = arith.select %lt3A_444, %add3A_447, %broadcast_in_dim3A_441 : vector<16xi1>, vector<16xi32>
      %reshape3A_449 = vector.shape_cast %select_n3A_448 : vector<16xi32> to vector<16x1xi32>
      %gather3A_450 = vector.shape_cast %reshape3A_449 : vector<16x1xi32> to vector<16xi32>
      %gather3A_451 = tpu.dynamic_gather %get3A_184[%gather3A_450] in [0] : vector<16xf32>, vector<16xi32> -> vector<16xf32>
      %mul3A_452 = arith.mulf %gather3A_438, %gather3A_439 : vector<16xf32>
      %mul3A_453 = arith.mulf %mul3A_452, %gather3A_451 : vector<16xf32>
      %add3A_454 = arith.addf %add3A_435, %mul3A_453 : vector<16xf32>
      %broadcast_in_dim3A_455 = arith.constant 13 : i32
      %broadcast_in_dim3A_456 = vector.broadcast %broadcast_in_dim3A_455 : i32 to vector<16xi32>
      %gather3A_457 = tpu.vector_load_idx %arg10[%add3A_205, %broadcast_in_dim3A_456] : memref<512x32xf32, #tpu.memory_space<vmem>>[vector<16xi32>, vector<16xi32>], vector<16xf32>,
      %gather3A_458 = tpu.vector_load_idx %arg11[%add3A_205, %broadcast_in_dim3A_456] : memref<512x32xf32, #tpu.memory_space<vmem>>[vector<16xi32>, vector<16xi32>], vector<16xf32>,
      %broadcast_in_dim3A_459 = arith.constant 13 : i32
      %broadcast_in_dim3A_460 = vector.broadcast %broadcast_in_dim3A_459 : i32 to vector<16xi32>
      %lt3A_461 = arith.constant 0 : i32
      %lt3A_462 = vector.broadcast %lt3A_461 : i32 to vector<16xi32>
      %lt3A_463 = arith.cmpi slt, %broadcast_in_dim3A_460, %lt3A_462 : vector<16xi32>
      %add3A_464 = arith.constant 16 : i32
      %add3A_465 = vector.broadcast %add3A_464 : i32 to vector<16xi32>
      %add3A_466 = arith.addi %broadcast_in_dim3A_460, %add3A_465 : vector<16xi32>
      %select_n3A_467 = arith.select %lt3A_463, %add3A_466, %broadcast_in_dim3A_460 : vector<16xi1>, vector<16xi32>
      %reshape3A_468 = vector.shape_cast %select_n3A_467 : vector<16xi32> to vector<16x1xi32>
      %gather3A_469 = vector.shape_cast %reshape3A_468 : vector<16x1xi32> to vector<16xi32>
      %gather3A_470 = tpu.dynamic_gather %get3A_184[%gather3A_469] in [0] : vector<16xf32>, vector<16xi32> -> vector<16xf32>
      %mul3A_471 = arith.mulf %gather3A_457, %gather3A_458 : vector<16xf32>
      %mul3A_472 = arith.mulf %mul3A_471, %gather3A_470 : vector<16xf32>
      %add3A_473 = arith.addf %add3A_454, %mul3A_472 : vector<16xf32>
      %broadcast_in_dim3A_474 = arith.constant 14 : i32
      %broadcast_in_dim3A_475 = vector.broadcast %broadcast_in_dim3A_474 : i32 to vector<16xi32>
      %gather3A_476 = tpu.vector_load_idx %arg10[%add3A_205, %broadcast_in_dim3A_475] : memref<512x32xf32, #tpu.memory_space<vmem>>[vector<16xi32>, vector<16xi32>], vector<16xf32>,
      %gather3A_477 = tpu.vector_load_idx %arg11[%add3A_205, %broadcast_in_dim3A_475] : memref<512x32xf32, #tpu.memory_space<vmem>>[vector<16xi32>, vector<16xi32>], vector<16xf32>,
      %broadcast_in_dim3A_478 = arith.constant 14 : i32
      %broadcast_in_dim3A_479 = vector.broadcast %broadcast_in_dim3A_478 : i32 to vector<16xi32>
      %lt3A_480 = arith.constant 0 : i32
      %lt3A_481 = vector.broadcast %lt3A_480 : i32 to vector<16xi32>
      %lt3A_482 = arith.cmpi slt, %broadcast_in_dim3A_479, %lt3A_481 : vector<16xi32>
      %add3A_483 = arith.constant 16 : i32
      %add3A_484 = vector.broadcast %add3A_483 : i32 to vector<16xi32>
      %add3A_485 = arith.addi %broadcast_in_dim3A_479, %add3A_484 : vector<16xi32>
      %select_n3A_486 = arith.select %lt3A_482, %add3A_485, %broadcast_in_dim3A_479 : vector<16xi1>, vector<16xi32>
      %reshape3A_487 = vector.shape_cast %select_n3A_486 : vector<16xi32> to vector<16x1xi32>
      %gather3A_488 = vector.shape_cast %reshape3A_487 : vector<16x1xi32> to vector<16xi32>
      %gather3A_489 = tpu.dynamic_gather %get3A_184[%gather3A_488] in [0] : vector<16xf32>, vector<16xi32> -> vector<16xf32>
      %mul3A_490 = arith.mulf %gather3A_476, %gather3A_477 : vector<16xf32>
      %mul3A_491 = arith.mulf %mul3A_490, %gather3A_489 : vector<16xf32>
      %add3A_492 = arith.addf %add3A_473, %mul3A_491 : vector<16xf32>
      %broadcast_in_dim3A_493 = arith.constant 15 : i32
      %broadcast_in_dim3A_494 = vector.broadcast %broadcast_in_dim3A_493 : i32 to vector<16xi32>
      %gather3A_495 = tpu.vector_load_idx %arg10[%add3A_205, %broadcast_in_dim3A_494] : memref<512x32xf32, #tpu.memory_space<vmem>>[vector<16xi32>, vector<16xi32>], vector<16xf32>,
      %gather3A_496 = tpu.vector_load_idx %arg11[%add3A_205, %broadcast_in_dim3A_494] : memref<512x32xf32, #tpu.memory_space<vmem>>[vector<16xi32>, vector<16xi32>], vector<16xf32>,
      %broadcast_in_dim3A_497 = arith.constant 15 : i32
      %broadcast_in_dim3A_498 = vector.broadcast %broadcast_in_dim3A_497 : i32 to vector<16xi32>
      %lt3A_499 = arith.constant 0 : i32
      %lt3A_500 = vector.broadcast %lt3A_499 : i32 to vector<16xi32>
      %lt3A_501 = arith.cmpi slt, %broadcast_in_dim3A_498, %lt3A_500 : vector<16xi32>
      %add3A_502 = arith.constant 16 : i32
      %add3A_503 = vector.broadcast %add3A_502 : i32 to vector<16xi32>
      %add3A_504 = arith.addi %broadcast_in_dim3A_498, %add3A_503 : vector<16xi32>
      %select_n3A_505 = arith.select %lt3A_501, %add3A_504, %broadcast_in_dim3A_498 : vector<16xi1>, vector<16xi32>
      %reshape3A_506 = vector.shape_cast %select_n3A_505 : vector<16xi32> to vector<16x1xi32>
      %gather3A_507 = vector.shape_cast %reshape3A_506 : vector<16x1xi32> to vector<16xi32>
      %gather3A_508 = tpu.dynamic_gather %get3A_184[%gather3A_507] in [0] : vector<16xf32>, vector<16xi32> -> vector<16xf32>
      %mul3A_509 = arith.mulf %gather3A_495, %gather3A_496 : vector<16xf32>
      %mul3A_510 = arith.mulf %mul3A_509, %gather3A_508 : vector<16xf32>
      %add3A_511 = arith.addf %add3A_492, %mul3A_510 : vector<16xf32>
      %broadcast_in_dim3A_512 = arith.constant 16 : i32
      %broadcast_in_dim3A_513 = vector.broadcast %broadcast_in_dim3A_512 : i32 to vector<16xi32>
      %gather3A_514 = tpu.vector_load_idx %arg10[%add3A_205, %broadcast_in_dim3A_513] : memref<512x32xf32, #tpu.memory_space<vmem>>[vector<16xi32>, vector<16xi32>], vector<16xf32>,
      %gather3A_515 = tpu.vector_load_idx %arg11[%add3A_205, %broadcast_in_dim3A_513] : memref<512x32xf32, #tpu.memory_space<vmem>>[vector<16xi32>, vector<16xi32>], vector<16xf32>,
      %broadcast_in_dim3A_516 = arith.constant 0 : i32
      %broadcast_in_dim3A_517 = vector.broadcast %broadcast_in_dim3A_516 : i32 to vector<16xi32>
      %lt3A_518 = arith.constant 0 : i32
      %lt3A_519 = vector.broadcast %lt3A_518 : i32 to vector<16xi32>
      %lt3A_520 = arith.cmpi slt, %broadcast_in_dim3A_517, %lt3A_519 : vector<16xi32>
      %add3A_521 = arith.constant 16 : i32
      %add3A_522 = vector.broadcast %add3A_521 : i32 to vector<16xi32>
      %add3A_523 = arith.addi %broadcast_in_dim3A_517, %add3A_522 : vector<16xi32>
      %select_n3A_524 = arith.select %lt3A_520, %add3A_523, %broadcast_in_dim3A_517 : vector<16xi1>, vector<16xi32>
      %reshape3A_525 = vector.shape_cast %select_n3A_524 : vector<16xi32> to vector<16x1xi32>
      %gather3A_526 = vector.shape_cast %reshape3A_525 : vector<16x1xi32> to vector<16xi32>
      %gather3A_527 = tpu.dynamic_gather %get3A_186[%gather3A_526] in [0] : vector<16xf32>, vector<16xi32> -> vector<16xf32>
      %mul3A_528 = arith.mulf %gather3A_514, %gather3A_515 : vector<16xf32>
      %mul3A_529 = arith.mulf %mul3A_528, %gather3A_527 : vector<16xf32>
      %add3A_530 = arith.addf %add3A_511, %mul3A_529 : vector<16xf32>
      %broadcast_in_dim3A_531 = arith.constant 17 : i32
      %broadcast_in_dim3A_532 = vector.broadcast %broadcast_in_dim3A_531 : i32 to vector<16xi32>
      %gather3A_533 = tpu.vector_load_idx %arg10[%add3A_205, %broadcast_in_dim3A_532] : memref<512x32xf32, #tpu.memory_space<vmem>>[vector<16xi32>, vector<16xi32>], vector<16xf32>,
      %gather3A_534 = tpu.vector_load_idx %arg11[%add3A_205, %broadcast_in_dim3A_532] : memref<512x32xf32, #tpu.memory_space<vmem>>[vector<16xi32>, vector<16xi32>], vector<16xf32>,
      %broadcast_in_dim3A_535 = arith.constant 1 : i32
      %broadcast_in_dim3A_536 = vector.broadcast %broadcast_in_dim3A_535 : i32 to vector<16xi32>
      %lt3A_537 = arith.constant 0 : i32
      %lt3A_538 = vector.broadcast %lt3A_537 : i32 to vector<16xi32>
      %lt3A_539 = arith.cmpi slt, %broadcast_in_dim3A_536, %lt3A_538 : vector<16xi32>
      %add3A_540 = arith.constant 16 : i32
      %add3A_541 = vector.broadcast %add3A_540 : i32 to vector<16xi32>
      %add3A_542 = arith.addi %broadcast_in_dim3A_536, %add3A_541 : vector<16xi32>
      %select_n3A_543 = arith.select %lt3A_539, %add3A_542, %broadcast_in_dim3A_536 : vector<16xi1>, vector<16xi32>
      %reshape3A_544 = vector.shape_cast %select_n3A_543 : vector<16xi32> to vector<16x1xi32>
      %gather3A_545 = vector.shape_cast %reshape3A_544 : vector<16x1xi32> to vector<16xi32>
      %gather3A_546 = tpu.dynamic_gather %get3A_186[%gather3A_545] in [0] : vector<16xf32>, vector<16xi32> -> vector<16xf32>
      %mul3A_547 = arith.mulf %gather3A_533, %gather3A_534 : vector<16xf32>
      %mul3A_548 = arith.mulf %mul3A_547, %gather3A_546 : vector<16xf32>
      %add3A_549 = arith.addf %add3A_530, %mul3A_548 : vector<16xf32>
      %broadcast_in_dim3A_550 = arith.constant 18 : i32
      %broadcast_in_dim3A_551 = vector.broadcast %broadcast_in_dim3A_550 : i32 to vector<16xi32>
      %gather3A_552 = tpu.vector_load_idx %arg10[%add3A_205, %broadcast_in_dim3A_551] : memref<512x32xf32, #tpu.memory_space<vmem>>[vector<16xi32>, vector<16xi32>], vector<16xf32>,
      %gather3A_553 = tpu.vector_load_idx %arg11[%add3A_205, %broadcast_in_dim3A_551] : memref<512x32xf32, #tpu.memory_space<vmem>>[vector<16xi32>, vector<16xi32>], vector<16xf32>,
      %broadcast_in_dim3A_554 = arith.constant 2 : i32
      %broadcast_in_dim3A_555 = vector.broadcast %broadcast_in_dim3A_554 : i32 to vector<16xi32>
      %lt3A_556 = arith.constant 0 : i32
      %lt3A_557 = vector.broadcast %lt3A_556 : i32 to vector<16xi32>
      %lt3A_558 = arith.cmpi slt, %broadcast_in_dim3A_555, %lt3A_557 : vector<16xi32>
      %add3A_559 = arith.constant 16 : i32
      %add3A_560 = vector.broadcast %add3A_559 : i32 to vector<16xi32>
      %add3A_561 = arith.addi %broadcast_in_dim3A_555, %add3A_560 : vector<16xi32>
      %select_n3A_562 = arith.select %lt3A_558, %add3A_561, %broadcast_in_dim3A_555 : vector<16xi1>, vector<16xi32>
      %reshape3A_563 = vector.shape_cast %select_n3A_562 : vector<16xi32> to vector<16x1xi32>
      %gather3A_564 = vector.shape_cast %reshape3A_563 : vector<16x1xi32> to vector<16xi32>
      %gather3A_565 = tpu.dynamic_gather %get3A_186[%gather3A_564] in [0] : vector<16xf32>, vector<16xi32> -> vector<16xf32>
      %mul3A_566 = arith.mulf %gather3A_552, %gather3A_553 : vector<16xf32>
      %mul3A_567 = arith.mulf %mul3A_566, %gather3A_565 : vector<16xf32>
      %add3A_568 = arith.addf %add3A_549, %mul3A_567 : vector<16xf32>
      %broadcast_in_dim3A_569 = arith.constant 19 : i32
      %broadcast_in_dim3A_570 = vector.broadcast %broadcast_in_dim3A_569 : i32 to vector<16xi32>
      %gather3A_571 = tpu.vector_load_idx %arg10[%add3A_205, %broadcast_in_dim3A_570] : memref<512x32xf32, #tpu.memory_space<vmem>>[vector<16xi32>, vector<16xi32>], vector<16xf32>,
      %gather3A_572 = tpu.vector_load_idx %arg11[%add3A_205, %broadcast_in_dim3A_570] : memref<512x32xf32, #tpu.memory_space<vmem>>[vector<16xi32>, vector<16xi32>], vector<16xf32>,
      %broadcast_in_dim3A_573 = arith.constant 3 : i32
      %broadcast_in_dim3A_574 = vector.broadcast %broadcast_in_dim3A_573 : i32 to vector<16xi32>
      %lt3A_575 = arith.constant 0 : i32
      %lt3A_576 = vector.broadcast %lt3A_575 : i32 to vector<16xi32>
      %lt3A_577 = arith.cmpi slt, %broadcast_in_dim3A_574, %lt3A_576 : vector<16xi32>
      %add3A_578 = arith.constant 16 : i32
      %add3A_579 = vector.broadcast %add3A_578 : i32 to vector<16xi32>
      %add3A_580 = arith.addi %broadcast_in_dim3A_574, %add3A_579 : vector<16xi32>
      %select_n3A_581 = arith.select %lt3A_577, %add3A_580, %broadcast_in_dim3A_574 : vector<16xi1>, vector<16xi32>
      %reshape3A_582 = vector.shape_cast %select_n3A_581 : vector<16xi32> to vector<16x1xi32>
      %gather3A_583 = vector.shape_cast %reshape3A_582 : vector<16x1xi32> to vector<16xi32>
      %gather3A_584 = tpu.dynamic_gather %get3A_186[%gather3A_583] in [0] : vector<16xf32>, vector<16xi32> -> vector<16xf32>
      %mul3A_585 = arith.mulf %gather3A_571, %gather3A_572 : vector<16xf32>
      %mul3A_586 = arith.mulf %mul3A_585, %gather3A_584 : vector<16xf32>
      %add3A_587 = arith.addf %add3A_568, %mul3A_586 : vector<16xf32>
      %broadcast_in_dim3A_588 = arith.constant 20 : i32
      %broadcast_in_dim3A_589 = vector.broadcast %broadcast_in_dim3A_588 : i32 to vector<16xi32>
      %gather3A_590 = tpu.vector_load_idx %arg10[%add3A_205, %broadcast_in_dim3A_589] : memref<512x32xf32, #tpu.memory_space<vmem>>[vector<16xi32>, vector<16xi32>], vector<16xf32>,
      %gather3A_591 = tpu.vector_load_idx %arg11[%add3A_205, %broadcast_in_dim3A_589] : memref<512x32xf32, #tpu.memory_space<vmem>>[vector<16xi32>, vector<16xi32>], vector<16xf32>,
      %broadcast_in_dim3A_592 = arith.constant 4 : i32
      %broadcast_in_dim3A_593 = vector.broadcast %broadcast_in_dim3A_592 : i32 to vector<16xi32>
      %lt3A_594 = arith.constant 0 : i32
      %lt3A_595 = vector.broadcast %lt3A_594 : i32 to vector<16xi32>
      %lt3A_596 = arith.cmpi slt, %broadcast_in_dim3A_593, %lt3A_595 : vector<16xi32>
      %add3A_597 = arith.constant 16 : i32
      %add3A_598 = vector.broadcast %add3A_597 : i32 to vector<16xi32>
      %add3A_599 = arith.addi %broadcast_in_dim3A_593, %add3A_598 : vector<16xi32>
      %select_n3A_600 = arith.select %lt3A_596, %add3A_599, %broadcast_in_dim3A_593 : vector<16xi1>, vector<16xi32>
      %reshape3A_601 = vector.shape_cast %select_n3A_600 : vector<16xi32> to vector<16x1xi32>
      %gather3A_602 = vector.shape_cast %reshape3A_601 : vector<16x1xi32> to vector<16xi32>
      %gather3A_603 = tpu.dynamic_gather %get3A_186[%gather3A_602] in [0] : vector<16xf32>, vector<16xi32> -> vector<16xf32>
      %mul3A_604 = arith.mulf %gather3A_590, %gather3A_591 : vector<16xf32>
      %mul3A_605 = arith.mulf %mul3A_604, %gather3A_603 : vector<16xf32>
      %add3A_606 = arith.addf %add3A_587, %mul3A_605 : vector<16xf32>
      %broadcast_in_dim3A_607 = arith.constant 21 : i32
      %broadcast_in_dim3A_608 = vector.broadcast %broadcast_in_dim3A_607 : i32 to vector<16xi32>
      %gather3A_609 = tpu.vector_load_idx %arg10[%add3A_205, %broadcast_in_dim3A_608] : memref<512x32xf32, #tpu.memory_space<vmem>>[vector<16xi32>, vector<16xi32>], vector<16xf32>,
      %gather3A_610 = tpu.vector_load_idx %arg11[%add3A_205, %broadcast_in_dim3A_608] : memref<512x32xf32, #tpu.memory_space<vmem>>[vector<16xi32>, vector<16xi32>], vector<16xf32>,
      %broadcast_in_dim3A_611 = arith.constant 5 : i32
      %broadcast_in_dim3A_612 = vector.broadcast %broadcast_in_dim3A_611 : i32 to vector<16xi32>
      %lt3A_613 = arith.constant 0 : i32
      %lt3A_614 = vector.broadcast %lt3A_613 : i32 to vector<16xi32>
      %lt3A_615 = arith.cmpi slt, %broadcast_in_dim3A_612, %lt3A_614 : vector<16xi32>
      %add3A_616 = arith.constant 16 : i32
      %add3A_617 = vector.broadcast %add3A_616 : i32 to vector<16xi32>
      %add3A_618 = arith.addi %broadcast_in_dim3A_612, %add3A_617 : vector<16xi32>
      %select_n3A_619 = arith.select %lt3A_615, %add3A_618, %broadcast_in_dim3A_612 : vector<16xi1>, vector<16xi32>
      %reshape3A_620 = vector.shape_cast %select_n3A_619 : vector<16xi32> to vector<16x1xi32>
      %gather3A_621 = vector.shape_cast %reshape3A_620 : vector<16x1xi32> to vector<16xi32>
      %gather3A_622 = tpu.dynamic_gather %get3A_186[%gather3A_621] in [0] : vector<16xf32>, vector<16xi32> -> vector<16xf32>
      %mul3A_623 = arith.mulf %gather3A_609, %gather3A_610 : vector<16xf32>
      %mul3A_624 = arith.mulf %mul3A_623, %gather3A_622 : vector<16xf32>
      %add3A_625 = arith.addf %add3A_606, %mul3A_624 : vector<16xf32>
      %broadcast_in_dim3A_626 = arith.constant 22 : i32
      %broadcast_in_dim3A_627 = vector.broadcast %broadcast_in_dim3A_626 : i32 to vector<16xi32>
      %gather3A_628 = tpu.vector_load_idx %arg10[%add3A_205, %broadcast_in_dim3A_627] : memref<512x32xf32, #tpu.memory_space<vmem>>[vector<16xi32>, vector<16xi32>], vector<16xf32>,
      %gather3A_629 = tpu.vector_load_idx %arg11[%add3A_205, %broadcast_in_dim3A_627] : memref<512x32xf32, #tpu.memory_space<vmem>>[vector<16xi32>, vector<16xi32>], vector<16xf32>,
      %broadcast_in_dim3A_630 = arith.constant 6 : i32
      %broadcast_in_dim3A_631 = vector.broadcast %broadcast_in_dim3A_630 : i32 to vector<16xi32>
      %lt3A_632 = arith.constant 0 : i32
      %lt3A_633 = vector.broadcast %lt3A_632 : i32 to vector<16xi32>
      %lt3A_634 = arith.cmpi slt, %broadcast_in_dim3A_631, %lt3A_633 : vector<16xi32>
      %add3A_635 = arith.constant 16 : i32
      %add3A_636 = vector.broadcast %add3A_635 : i32 to vector<16xi32>
      %add3A_637 = arith.addi %broadcast_in_dim3A_631, %add3A_636 : vector<16xi32>
      %select_n3A_638 = arith.select %lt3A_634, %add3A_637, %broadcast_in_dim3A_631 : vector<16xi1>, vector<16xi32>
      %reshape3A_639 = vector.shape_cast %select_n3A_638 : vector<16xi32> to vector<16x1xi32>
      %gather3A_640 = vector.shape_cast %reshape3A_639 : vector<16x1xi32> to vector<16xi32>
      %gather3A_641 = tpu.dynamic_gather %get3A_186[%gather3A_640] in [0] : vector<16xf32>, vector<16xi32> -> vector<16xf32>
      %mul3A_642 = arith.mulf %gather3A_628, %gather3A_629 : vector<16xf32>
      %mul3A_643 = arith.mulf %mul3A_642, %gather3A_641 : vector<16xf32>
      %add3A_644 = arith.addf %add3A_625, %mul3A_643 : vector<16xf32>
      %broadcast_in_dim3A_645 = arith.constant 23 : i32
      %broadcast_in_dim3A_646 = vector.broadcast %broadcast_in_dim3A_645 : i32 to vector<16xi32>
      %gather3A_647 = tpu.vector_load_idx %arg10[%add3A_205, %broadcast_in_dim3A_646] : memref<512x32xf32, #tpu.memory_space<vmem>>[vector<16xi32>, vector<16xi32>], vector<16xf32>,
      %gather3A_648 = tpu.vector_load_idx %arg11[%add3A_205, %broadcast_in_dim3A_646] : memref<512x32xf32, #tpu.memory_space<vmem>>[vector<16xi32>, vector<16xi32>], vector<16xf32>,
      %broadcast_in_dim3A_649 = arith.constant 7 : i32
      %broadcast_in_dim3A_650 = vector.broadcast %broadcast_in_dim3A_649 : i32 to vector<16xi32>
      %lt3A_651 = arith.constant 0 : i32
      %lt3A_652 = vector.broadcast %lt3A_651 : i32 to vector<16xi32>
      %lt3A_653 = arith.cmpi slt, %broadcast_in_dim3A_650, %lt3A_652 : vector<16xi32>
      %add3A_654 = arith.constant 16 : i32
      %add3A_655 = vector.broadcast %add3A_654 : i32 to vector<16xi32>
      %add3A_656 = arith.addi %broadcast_in_dim3A_650, %add3A_655 : vector<16xi32>
      %select_n3A_657 = arith.select %lt3A_653, %add3A_656, %broadcast_in_dim3A_650 : vector<16xi1>, vector<16xi32>
      %reshape3A_658 = vector.shape_cast %select_n3A_657 : vector<16xi32> to vector<16x1xi32>
      %gather3A_659 = vector.shape_cast %reshape3A_658 : vector<16x1xi32> to vector<16xi32>
      %gather3A_660 = tpu.dynamic_gather %get3A_186[%gather3A_659] in [0] : vector<16xf32>, vector<16xi32> -> vector<16xf32>
      %mul3A_661 = arith.mulf %gather3A_647, %gather3A_648 : vector<16xf32>
      %mul3A_662 = arith.mulf %mul3A_661, %gather3A_660 : vector<16xf32>
      %add3A_663 = arith.addf %add3A_644, %mul3A_662 : vector<16xf32>
      %broadcast_in_dim3A_664 = arith.constant 24 : i32
      %broadcast_in_dim3A_665 = vector.broadcast %broadcast_in_dim3A_664 : i32 to vector<16xi32>
      %gather3A_666 = tpu.vector_load_idx %arg10[%add3A_205, %broadcast_in_dim3A_665] : memref<512x32xf32, #tpu.memory_space<vmem>>[vector<16xi32>, vector<16xi32>], vector<16xf32>,
      %gather3A_667 = tpu.vector_load_idx %arg11[%add3A_205, %broadcast_in_dim3A_665] : memref<512x32xf32, #tpu.memory_space<vmem>>[vector<16xi32>, vector<16xi32>], vector<16xf32>,
      %broadcast_in_dim3A_668 = arith.constant 8 : i32
      %broadcast_in_dim3A_669 = vector.broadcast %broadcast_in_dim3A_668 : i32 to vector<16xi32>
      %lt3A_670 = arith.constant 0 : i32
      %lt3A_671 = vector.broadcast %lt3A_670 : i32 to vector<16xi32>
      %lt3A_672 = arith.cmpi slt, %broadcast_in_dim3A_669, %lt3A_671 : vector<16xi32>
      %add3A_673 = arith.constant 16 : i32
      %add3A_674 = vector.broadcast %add3A_673 : i32 to vector<16xi32>
      %add3A_675 = arith.addi %broadcast_in_dim3A_669, %add3A_674 : vector<16xi32>
      %select_n3A_676 = arith.select %lt3A_672, %add3A_675, %broadcast_in_dim3A_669 : vector<16xi1>, vector<16xi32>
      %reshape3A_677 = vector.shape_cast %select_n3A_676 : vector<16xi32> to vector<16x1xi32>
      %gather3A_678 = vector.shape_cast %reshape3A_677 : vector<16x1xi32> to vector<16xi32>
      %gather3A_679 = tpu.dynamic_gather %get3A_186[%gather3A_678] in [0] : vector<16xf32>, vector<16xi32> -> vector<16xf32>
      %mul3A_680 = arith.mulf %gather3A_666, %gather3A_667 : vector<16xf32>
      %mul3A_681 = arith.mulf %mul3A_680, %gather3A_679 : vector<16xf32>
      %add3A_682 = arith.addf %add3A_663, %mul3A_681 : vector<16xf32>
      %broadcast_in_dim3A_683 = arith.constant 25 : i32
      %broadcast_in_dim3A_684 = vector.broadcast %broadcast_in_dim3A_683 : i32 to vector<16xi32>
      %gather3A_685 = tpu.vector_load_idx %arg10[%add3A_205, %broadcast_in_dim3A_684] : memref<512x32xf32, #tpu.memory_space<vmem>>[vector<16xi32>, vector<16xi32>], vector<16xf32>,
      %gather3A_686 = tpu.vector_load_idx %arg11[%add3A_205, %broadcast_in_dim3A_684] : memref<512x32xf32, #tpu.memory_space<vmem>>[vector<16xi32>, vector<16xi32>], vector<16xf32>,
      %broadcast_in_dim3A_687 = arith.constant 9 : i32
      %broadcast_in_dim3A_688 = vector.broadcast %broadcast_in_dim3A_687 : i32 to vector<16xi32>
      %lt3A_689 = arith.constant 0 : i32
      %lt3A_690 = vector.broadcast %lt3A_689 : i32 to vector<16xi32>
      %lt3A_691 = arith.cmpi slt, %broadcast_in_dim3A_688, %lt3A_690 : vector<16xi32>
      %add3A_692 = arith.constant 16 : i32
      %add3A_693 = vector.broadcast %add3A_692 : i32 to vector<16xi32>
      %add3A_694 = arith.addi %broadcast_in_dim3A_688, %add3A_693 : vector<16xi32>
      %select_n3A_695 = arith.select %lt3A_691, %add3A_694, %broadcast_in_dim3A_688 : vector<16xi1>, vector<16xi32>
      %reshape3A_696 = vector.shape_cast %select_n3A_695 : vector<16xi32> to vector<16x1xi32>
      %gather3A_697 = vector.shape_cast %reshape3A_696 : vector<16x1xi32> to vector<16xi32>
      %gather3A_698 = tpu.dynamic_gather %get3A_186[%gather3A_697] in [0] : vector<16xf32>, vector<16xi32> -> vector<16xf32>
      %mul3A_699 = arith.mulf %gather3A_685, %gather3A_686 : vector<16xf32>
      %mul3A_700 = arith.mulf %mul3A_699, %gather3A_698 : vector<16xf32>
      %add3A_701 = arith.addf %add3A_682, %mul3A_700 : vector<16xf32>
      %broadcast_in_dim3A_702 = arith.constant 26 : i32
      %broadcast_in_dim3A_703 = vector.broadcast %broadcast_in_dim3A_702 : i32 to vector<16xi32>
      %gather3A_704 = tpu.vector_load_idx %arg10[%add3A_205, %broadcast_in_dim3A_703] : memref<512x32xf32, #tpu.memory_space<vmem>>[vector<16xi32>, vector<16xi32>], vector<16xf32>,
      %gather3A_705 = tpu.vector_load_idx %arg11[%add3A_205, %broadcast_in_dim3A_703] : memref<512x32xf32, #tpu.memory_space<vmem>>[vector<16xi32>, vector<16xi32>], vector<16xf32>,
      %broadcast_in_dim3A_706 = arith.constant 10 : i32
      %broadcast_in_dim3A_707 = vector.broadcast %broadcast_in_dim3A_706 : i32 to vector<16xi32>
      %lt3A_708 = arith.constant 0 : i32
      %lt3A_709 = vector.broadcast %lt3A_708 : i32 to vector<16xi32>
      %lt3A_710 = arith.cmpi slt, %broadcast_in_dim3A_707, %lt3A_709 : vector<16xi32>
      %add3A_711 = arith.constant 16 : i32
      %add3A_712 = vector.broadcast %add3A_711 : i32 to vector<16xi32>
      %add3A_713 = arith.addi %broadcast_in_dim3A_707, %add3A_712 : vector<16xi32>
      %select_n3A_714 = arith.select %lt3A_710, %add3A_713, %broadcast_in_dim3A_707 : vector<16xi1>, vector<16xi32>
      %reshape3A_715 = vector.shape_cast %select_n3A_714 : vector<16xi32> to vector<16x1xi32>
      %gather3A_716 = vector.shape_cast %reshape3A_715 : vector<16x1xi32> to vector<16xi32>
      %gather3A_717 = tpu.dynamic_gather %get3A_186[%gather3A_716] in [0] : vector<16xf32>, vector<16xi32> -> vector<16xf32>
      %mul3A_718 = arith.mulf %gather3A_704, %gather3A_705 : vector<16xf32>
      %mul3A_719 = arith.mulf %mul3A_718, %gather3A_717 : vector<16xf32>
      %add3A_720 = arith.addf %add3A_701, %mul3A_719 : vector<16xf32>
      %broadcast_in_dim3A_721 = arith.constant 27 : i32
      %broadcast_in_dim3A_722 = vector.broadcast %broadcast_in_dim3A_721 : i32 to vector<16xi32>
      %gather3A_723 = tpu.vector_load_idx %arg10[%add3A_205, %broadcast_in_dim3A_722] : memref<512x32xf32, #tpu.memory_space<vmem>>[vector<16xi32>, vector<16xi32>], vector<16xf32>,
      %gather3A_724 = tpu.vector_load_idx %arg11[%add3A_205, %broadcast_in_dim3A_722] : memref<512x32xf32, #tpu.memory_space<vmem>>[vector<16xi32>, vector<16xi32>], vector<16xf32>,
      %broadcast_in_dim3A_725 = arith.constant 11 : i32
      %broadcast_in_dim3A_726 = vector.broadcast %broadcast_in_dim3A_725 : i32 to vector<16xi32>
      %lt3A_727 = arith.constant 0 : i32
      %lt3A_728 = vector.broadcast %lt3A_727 : i32 to vector<16xi32>
      %lt3A_729 = arith.cmpi slt, %broadcast_in_dim3A_726, %lt3A_728 : vector<16xi32>
      %add3A_730 = arith.constant 16 : i32
      %add3A_731 = vector.broadcast %add3A_730 : i32 to vector<16xi32>
      %add3A_732 = arith.addi %broadcast_in_dim3A_726, %add3A_731 : vector<16xi32>
      %select_n3A_733 = arith.select %lt3A_729, %add3A_732, %broadcast_in_dim3A_726 : vector<16xi1>, vector<16xi32>
      %reshape3A_734 = vector.shape_cast %select_n3A_733 : vector<16xi32> to vector<16x1xi32>
      %gather3A_735 = vector.shape_cast %reshape3A_734 : vector<16x1xi32> to vector<16xi32>
      %gather3A_736 = tpu.dynamic_gather %get3A_186[%gather3A_735] in [0] : vector<16xf32>, vector<16xi32> -> vector<16xf32>
      %mul3A_737 = arith.mulf %gather3A_723, %gather3A_724 : vector<16xf32>
      %mul3A_738 = arith.mulf %mul3A_737, %gather3A_736 : vector<16xf32>
      %add3A_739 = arith.addf %add3A_720, %mul3A_738 : vector<16xf32>
      %broadcast_in_dim3A_740 = arith.constant 28 : i32
      %broadcast_in_dim3A_741 = vector.broadcast %broadcast_in_dim3A_740 : i32 to vector<16xi32>
      %gather3A_742 = tpu.vector_load_idx %arg10[%add3A_205, %broadcast_in_dim3A_741] : memref<512x32xf32, #tpu.memory_space<vmem>>[vector<16xi32>, vector<16xi32>], vector<16xf32>,
      %gather3A_743 = tpu.vector_load_idx %arg11[%add3A_205, %broadcast_in_dim3A_741] : memref<512x32xf32, #tpu.memory_space<vmem>>[vector<16xi32>, vector<16xi32>], vector<16xf32>,
      %broadcast_in_dim3A_744 = arith.constant 12 : i32
      %broadcast_in_dim3A_745 = vector.broadcast %broadcast_in_dim3A_744 : i32 to vector<16xi32>
      %lt3A_746 = arith.constant 0 : i32
      %lt3A_747 = vector.broadcast %lt3A_746 : i32 to vector<16xi32>
      %lt3A_748 = arith.cmpi slt, %broadcast_in_dim3A_745, %lt3A_747 : vector<16xi32>
      %add3A_749 = arith.constant 16 : i32
      %add3A_750 = vector.broadcast %add3A_749 : i32 to vector<16xi32>
      %add3A_751 = arith.addi %broadcast_in_dim3A_745, %add3A_750 : vector<16xi32>
      %select_n3A_752 = arith.select %lt3A_748, %add3A_751, %broadcast_in_dim3A_745 : vector<16xi1>, vector<16xi32>
      %reshape3A_753 = vector.shape_cast %select_n3A_752 : vector<16xi32> to vector<16x1xi32>
      %gather3A_754 = vector.shape_cast %reshape3A_753 : vector<16x1xi32> to vector<16xi32>
      %gather3A_755 = tpu.dynamic_gather %get3A_186[%gather3A_754] in [0] : vector<16xf32>, vector<16xi32> -> vector<16xf32>
      %mul3A_756 = arith.mulf %gather3A_742, %gather3A_743 : vector<16xf32>
      %mul3A_757 = arith.mulf %mul3A_756, %gather3A_755 : vector<16xf32>
      %add3A_758 = arith.addf %add3A_739, %mul3A_757 : vector<16xf32>
      %broadcast_in_dim3A_759 = arith.constant 29 : i32
      %broadcast_in_dim3A_760 = vector.broadcast %broadcast_in_dim3A_759 : i32 to vector<16xi32>
      %gather3A_761 = tpu.vector_load_idx %arg10[%add3A_205, %broadcast_in_dim3A_760] : memref<512x32xf32, #tpu.memory_space<vmem>>[vector<16xi32>, vector<16xi32>], vector<16xf32>,
      %gather3A_762 = tpu.vector_load_idx %arg11[%add3A_205, %broadcast_in_dim3A_760] : memref<512x32xf32, #tpu.memory_space<vmem>>[vector<16xi32>, vector<16xi32>], vector<16xf32>,
      %broadcast_in_dim3A_763 = arith.constant 13 : i32
      %broadcast_in_dim3A_764 = vector.broadcast %broadcast_in_dim3A_763 : i32 to vector<16xi32>
      %lt3A_765 = arith.constant 0 : i32
      %lt3A_766 = vector.broadcast %lt3A_765 : i32 to vector<16xi32>
      %lt3A_767 = arith.cmpi slt, %broadcast_in_dim3A_764, %lt3A_766 : vector<16xi32>
      %add3A_768 = arith.constant 16 : i32
      %add3A_769 = vector.broadcast %add3A_768 : i32 to vector<16xi32>
      %add3A_770 = arith.addi %broadcast_in_dim3A_764, %add3A_769 : vector<16xi32>
      %select_n3A_771 = arith.select %lt3A_767, %add3A_770, %broadcast_in_dim3A_764 : vector<16xi1>, vector<16xi32>
      %reshape3A_772 = vector.shape_cast %select_n3A_771 : vector<16xi32> to vector<16x1xi32>
      %gather3A_773 = vector.shape_cast %reshape3A_772 : vector<16x1xi32> to vector<16xi32>
      %gather3A_774 = tpu.dynamic_gather %get3A_186[%gather3A_773] in [0] : vector<16xf32>, vector<16xi32> -> vector<16xf32>
      %mul3A_775 = arith.mulf %gather3A_761, %gather3A_762 : vector<16xf32>
      %mul3A_776 = arith.mulf %mul3A_775, %gather3A_774 : vector<16xf32>
      %add3A_777 = arith.addf %add3A_758, %mul3A_776 : vector<16xf32>
      %broadcast_in_dim3A_778 = arith.constant 30 : i32
      %broadcast_in_dim3A_779 = vector.broadcast %broadcast_in_dim3A_778 : i32 to vector<16xi32>
      %gather3A_780 = tpu.vector_load_idx %arg10[%add3A_205, %broadcast_in_dim3A_779] : memref<512x32xf32, #tpu.memory_space<vmem>>[vector<16xi32>, vector<16xi32>], vector<16xf32>,
      %gather3A_781 = tpu.vector_load_idx %arg11[%add3A_205, %broadcast_in_dim3A_779] : memref<512x32xf32, #tpu.memory_space<vmem>>[vector<16xi32>, vector<16xi32>], vector<16xf32>,
      %broadcast_in_dim3A_782 = arith.constant 14 : i32
      %broadcast_in_dim3A_783 = vector.broadcast %broadcast_in_dim3A_782 : i32 to vector<16xi32>
      %lt3A_784 = arith.constant 0 : i32
      %lt3A_785 = vector.broadcast %lt3A_784 : i32 to vector<16xi32>
      %lt3A_786 = arith.cmpi slt, %broadcast_in_dim3A_783, %lt3A_785 : vector<16xi32>
      %add3A_787 = arith.constant 16 : i32
      %add3A_788 = vector.broadcast %add3A_787 : i32 to vector<16xi32>
      %add3A_789 = arith.addi %broadcast_in_dim3A_783, %add3A_788 : vector<16xi32>
      %select_n3A_790 = arith.select %lt3A_786, %add3A_789, %broadcast_in_dim3A_783 : vector<16xi1>, vector<16xi32>
      %reshape3A_791 = vector.shape_cast %select_n3A_790 : vector<16xi32> to vector<16x1xi32>
      %gather3A_792 = vector.shape_cast %reshape3A_791 : vector<16x1xi32> to vector<16xi32>
      %gather3A_793 = tpu.dynamic_gather %get3A_186[%gather3A_792] in [0] : vector<16xf32>, vector<16xi32> -> vector<16xf32>
      %mul3A_794 = arith.mulf %gather3A_780, %gather3A_781 : vector<16xf32>
      %mul3A_795 = arith.mulf %mul3A_794, %gather3A_793 : vector<16xf32>
      %add3A_796 = arith.addf %add3A_777, %mul3A_795 : vector<16xf32>
      %broadcast_in_dim3A_797 = arith.constant 31 : i32
      %broadcast_in_dim3A_798 = vector.broadcast %broadcast_in_dim3A_797 : i32 to vector<16xi32>
      %gather3A_799 = tpu.vector_load_idx %arg10[%add3A_205, %broadcast_in_dim3A_798] : memref<512x32xf32, #tpu.memory_space<vmem>>[vector<16xi32>, vector<16xi32>], vector<16xf32>,
      %gather3A_800 = tpu.vector_load_idx %arg11[%add3A_205, %broadcast_in_dim3A_798] : memref<512x32xf32, #tpu.memory_space<vmem>>[vector<16xi32>, vector<16xi32>], vector<16xf32>,
      %broadcast_in_dim3A_801 = arith.constant 15 : i32
      %broadcast_in_dim3A_802 = vector.broadcast %broadcast_in_dim3A_801 : i32 to vector<16xi32>
      %lt3A_803 = arith.constant 0 : i32
      %lt3A_804 = vector.broadcast %lt3A_803 : i32 to vector<16xi32>
      %lt3A_805 = arith.cmpi slt, %broadcast_in_dim3A_802, %lt3A_804 : vector<16xi32>
      %add3A_806 = arith.constant 16 : i32
      %add3A_807 = vector.broadcast %add3A_806 : i32 to vector<16xi32>
      %add3A_808 = arith.addi %broadcast_in_dim3A_802, %add3A_807 : vector<16xi32>
      %select_n3A_809 = arith.select %lt3A_805, %add3A_808, %broadcast_in_dim3A_802 : vector<16xi1>, vector<16xi32>
      %reshape3A_810 = vector.shape_cast %select_n3A_809 : vector<16xi32> to vector<16x1xi32>
      %gather3A_811 = vector.shape_cast %reshape3A_810 : vector<16x1xi32> to vector<16xi32>
      %gather3A_812 = tpu.dynamic_gather %get3A_186[%gather3A_811] in [0] : vector<16xf32>, vector<16xi32> -> vector<16xf32>
      %mul3A_813 = arith.mulf %gather3A_799, %gather3A_800 : vector<16xf32>
      %mul3A_814 = arith.mulf %mul3A_813, %gather3A_812 : vector<16xf32>
      %add3A_815 = arith.addf %add3A_796, %mul3A_814 : vector<16xf32>
      %add3A_816 = arith.addf %add3A_815, %gather3A_195 : vector<16xf32>
      %neg3A = arith.constant 0.000000e+00 : f32
      %neg3A_817 = vector.broadcast %neg3A : f32 to vector<16xf32>
      %neg3A_818 = arith.subf %neg3A_817, %add3A_816 : vector<16xf32>
      %exp3A = math.exp %neg3A_818 : vector<16xf32>
      %add3A_819 = arith.constant 1.000000e+00 : f32
      %add3A_820 = vector.broadcast %add3A_819 : f32 to vector<16xf32>
      %add3A_821 = arith.addf %add3A_820, %exp3A : vector<16xf32>
      %div3A = arith.constant 1.000000e+00 : f32
      %div3A_822 = vector.broadcast %div3A : f32 to vector<16xf32>
      %div3A_823 = arith.divf %div3A_822, %add3A_821 : vector<16xf32>
      %mul3A_824 = arith.constant 16 : i32
      %mul3A_825 = arith.muli %scan3A_201, %mul3A_824 : i32
      %swap3A = arith.index_cast %mul3A_825 : i32 to index
      %swap3A_826 = tpu.vector_load %arg13[%swap3A] {strides = array<i32>} : memref<512xf32, #tpu.memory_space<vmem>>, vector<16xf32>,
      tpu.vector_store %arg13[%swap3A], %div3A_823 {strides = array<i32>} : memref<512xf32, #tpu.memory_space<vmem>>, vector<16xf32>,
    }
    %scan3A_200 = arith.constant 32 : i32
    "tpu.region"() ({
      %run_scoped3A_201 = tpu.sem_alloc : memref<!tpu.dma_semaphore, #tpu.memory_space<semaphore_mem>>
      %dma_start3A_202 = tpu.memref_slice %arg7[%mul3A_2] : memref<16384xf32, #tpu.memory_space<hbm>> -> memref<512xf32, #tpu.memory_space<hbm>>
      %dma_start3A_203 = tpu.memref_slice %arg7[%mul3A_2] : memref<16384xf32, #tpu.memory_space<hbm>> -> memref<512xf32, #tpu.memory_space<hbm>>
      tpu.enqueue_dma source(%arg13 : memref<512xf32, #tpu.memory_space<vmem>>) target(%dma_start3A_203 : memref<512xf32, #tpu.memory_space<hbm>>) target_semaphore(%run_scoped3A_201 : memref<!tpu.dma_semaphore, #tpu.memory_space<semaphore_mem>>)
      %dma_wait3A_204 = tpu.memref_slice %arg7[%mul3A_2] : memref<16384xf32, #tpu.memory_space<hbm>> -> memref<512xf32, #tpu.memory_space<hbm>>
      %dma_wait3A_205 = tpu.memref_slice %arg7[%mul3A_2] : memref<16384xf32, #tpu.memory_space<hbm>> -> memref<512xf32, #tpu.memory_space<hbm>>
      tpu.wait_dma2 semaphore(%run_scoped3A_201 : memref<!tpu.dma_semaphore, #tpu.memory_space<semaphore_mem>>) src(%arg13 : memref<512xf32, #tpu.memory_space<vmem>>) dst(%dma_wait3A_205 : memref<512xf32, #tpu.memory_space<hbm>>)
      tpu.yield
    }) : () -> ()
    return
  }
}

</mosaic_0001>

<sc_bundles>
// kernel: kernel.3.cloned.1.call-start
scs
__scs_entry_jumppad:
0x0: {  	(pc) =	sbr.rel $0x88, $3  }
0x1: {  	(tag) =	ssettag $0x0;
	lr =	simm.s32 $0x1  }
0x2: {  	[smem:$0x3F9B] =	sst lr;
	_ =	strace $0xD0000000  }
0x3: {  	_ = 	snop  }
0x4: {  	_ = 	snop  }
0x5: {  	_ = 	snop  }
0x6: {  	_ = 	snop  }
0x7: {  	_ = 	snop  }
__scs_overlays_trampoline_lowered:
0x8: {  	[smem:$0x3FAA] =	sst s0  }
0x9: {  	[smem:$0x3FAB] =	sst s1  }
0xa: {  	[smem:$0x3FAC] =	sst s2  }
0xb: {  	[smem:$0x3FAD] =	sst s3  }
0xc: {  	[smem:$0x3FAE] =	sst s4  }
0xd: {  	[smem:$0x3FAF] =	sst s5  }
0xe: {  	[smem:$0x3FB0] =	sst s6  }
0xf: {  	[smem:$0x3FB1] =	sst s7  }
0x10: {  	[smem:$0x3FB2] =	sst s8  }
0x11: {  	[smem:$0x3FB3] =	sst s9;
	s0 =	simm.s32 @!p0 $0x0  }
0x12: {  	s1 =	sld [smem:$0x3F99];
	s0 =	simm.s32 @p0 $0x1  }
0x13: {  	[smem:$0x3FB4] =	sst s0;
	s0 =	simm.s32 @!p1 $0x0  }
0x14: {  	s2 =	sld [smem:$0x3F98];
	s0 =	simm.s32 @p1 $0x1  }
0x15: {  	[smem:$0x3FB5] =	sst s0;
	s0 =	simm.s32 @!p2 $0x0  }
0x16: {  	s3 =	sld [smem:$0x3FDB];
	s0 =	simm.s32 @p2 $0x1  }
0x17: {  	s4 =	simm.s32 $0x1BF5;
	[smem:$0x3FB7] =	sst s0  }
0x18: {  	s0 =	sld [smem:$0x3F9A];
	_ =	swait.ge [sflag:s4], $0x0  }
0x19: {  	s7 =	sld [smem:$0x3F9B]  }
0x1a: {  	s8 =	sadd.s32 $0xFFFFE003, lr  }
0x1b: {  	s9 =	sadd.s32 $0xFFFFFEF7, lr;
	s5 =	simm.s32 $0xFFFFFFFF;
	p2 =	slt.u32 s8, $0xFFFFF086  }
0x1c: {  	p1 =	slt.u32 s9, $0xF7A;
	s5 =	simm.s32 @!p2 $0x0  }
0x1d: {  	s5 =	simm.s32 @p1 $0x1;
	p0 =	seq.s32 s7, s2  }
0x1e: {  	s7 =	smul.u32 @!p0 $0xF7A, s2;
	p2 =	seq.s32 @!p0 s5, $0x0  }
0x1f: {  	s9 =	smul.u32 $0xF7A, s1;
	s8 =	simm.s32 @!p0 $0x1BF5;
	p2 =	por !p2, p0  }
0x20: {  	[sflag:s8] =	ssyncset.s32 @!p0 $0xFFFFF086;
	s6 =	sadd.s32 @!p0 s3, s7;
	s7 =	simm.s32 @!p0 $0x108  }
0x21: {  	s3 =	sadd.s32 s3, s9;
	s6 =	sadd.s32 @!p0 $0x88, s6;
	s7 =	simm.s32 @p2 $0x1082  }
0x22: {  	[simem:s7], [sflag:s8] =	dma.local @!p0 [hbm:s6], $0xF7A  }
0x23: {  	s9 =	sor.u32 $0xD0000000, s2;
	s6 =	simm.s32 $0x108;
	_ =	swait.ge @!p0 [sflag:s8], $0x0  }
0x24: {  	s3 =	sadd.s32 $0x88, s3;
	s6 =	simm.s32 @!p1 $0x1082;
	[sflag:s4] =	ssyncset.s32 $0xFFFFF086  }
0x25: {  	[simem:s6], [sflag:s4] =	dma.local [hbm:s3], $0xF7A  }
0x26: {  	[smem:$0x3F9B] =	sst s1;
	(tag) =	ssettag s2;
	_ =	strace s9  }
0x27: {  	s1 =	sld [smem:$0x3FAB]  }
0x28: {  	s2 =	sld [smem:$0x3FAC]  }
0x29: {  	s4 =	sld [smem:$0x3FAE]  }
0x2a: {  	p0 =	seq.s32 s5, $0x0;
	s5 =	sld [smem:$0x3FAF]  }
0x2b: {  	s6 =	sld [smem:$0x3FB0]  }
0x2c: {  	s7 =	sld [smem:$0x3FB1]  }
0x2d: {  	s3 =	simm.s32 $0x108;
	s8 =	sld [smem:$0x3FB2]  }
0x2e: {  	s3 =	simm.s32 @!p0 $0x1082;
	s9 =	sld [smem:$0x3FB3]  }
0x2f: {  	lr =	sadd.s32 s0, s3;
	s0 =	sld [smem:$0x3FAA]  }
0x30: {  	s3 =	sld [smem:$0x3FAD]  }
0x31: {  	[smem:$0x3FB6] =	sst s10  }
0x32: {  	s10 =	sld [smem:$0x3FB4];
	_ =	sdelay $0x3  }
0x33: {  	p0 =	seq.s32 s10, $0x1;
	s10 =	sld [smem:$0x3FB6];
	_ =	sdelay $0x3  }
0x34: {  	[smem:$0x3FB6] =	sst s10  }
0x35: {  	s10 =	sld [smem:$0x3FB5];
	_ =	sdelay $0x3  }
0x36: {  	p1 =	seq.s32 s10, $0x1;
	s10 =	sld [smem:$0x3FB6];
	_ =	sdelay $0x3  }
0x37: {  	[smem:$0x3FB6] =	sst s10  }
0x38: {  	s10 =	sld [smem:$0x3FB7]  }
0x39: {  	_ = 	snop;
	(pc) =	sbr.ind lr, $3  }
0x3a: {  	_ = 	snop  }
0x3b: {  	_ = 	snop  }
0x3c: {  	p2 =	seq.s32 s10, $0x1;
	s10 =	sld [smem:$0x3FB6]  }
0x3d: {  	_ =	shalt  }
0x3e: {  	_ =	shalt  }
0x3f: {  	_ =	shalt  }
0x40: {  	_ =	shalt  }
0x41: {  	_ =	shalt  }
0x42: {  	_ =	shalt  }
0x43: {  	_ =	shalt  }
0x44: {  	_ =	shalt  }
0x45: {  	_ =	shalt  }
0x46: {  	_ =	shalt  }
0x47: {  	_ =	shalt  }
0x48: {  	_ =	shalt  }
0x49: {  	_ =	shalt  }
0x4a: {  	_ =	shalt  }
0x4b: {  	_ =	shalt  }
0x4c: {  	_ =	shalt  }
0x4d: {  	_ =	shalt  }
0x4e: {  	_ =	shalt  }
0x4f: {  	_ =	shalt  }
0x50: {  	_ =	shalt  }
0x51: {  	_ =	shalt  }
0x52: {  	_ =	shalt  }
0x53: {  	_ =	shalt  }
0x54: {  	_ =	shalt  }
0x55: {  	_ =	shalt  }
0x56: {  	_ =	shalt  }
0x57: {  	_ =	shalt  }
0x58: {  	_ =	shalt  }
0x59: {  	_ =	shalt  }
0x5a: {  	_ =	shalt  }
0x5b: {  	_ =	shalt  }
0x5c: {  	_ =	shalt  }
0x5d: {  	_ =	shalt  }
0x5e: {  	_ =	shalt  }
0x5f: {  	_ =	shalt  }
0x60: {  	_ =	shalt  }
0x61: {  	_ =	shalt  }
0x62: {  	_ =	shalt  }
0x63: {  	_ =	shalt  }
0x64: {  	_ =	shalt  }
0x65: {  	_ =	shalt  }
0x66: {  	_ =	shalt  }
0x67: {  	_ =	shalt  }
0x68: {  	_ =	shalt  }
0x69: {  	_ =	shalt  }
0x6a: {  	_ =	shalt  }
0x6b: {  	_ =	shalt  }
0x6c: {  	_ =	shalt  }
0x6d: {  	_ =	shalt  }
0x6e: {  	_ =	shalt  }
0x6f: {  	_ =	shalt  }
0x70: {  	_ =	shalt  }
0x71: {  	_ =	shalt  }
0x72: {  	_ =	shalt  }
0x73: {  	_ =	shalt  }
0x74: {  	_ =	shalt  }
0x75: {  	_ =	shalt  }
0x76: {  	_ =	shalt  }
0x77: {  	_ =	shalt  }
0x78: {  	_ =	shalt  }
0x79: {  	_ =	shalt  }
0x7a: {  	_ =	shalt  }
0x7b: {  	_ =	shalt  }
0x7c: {  	_ =	shalt  }
0x7d: {  	_ =	shalt  }
0x7e: {  	_ =	shalt  }
0x7f: {  	_ =	shalt  }
0x80: {  	_ =	shalt  }
0x81: {  	_ =	shalt  }
0x82: {  	_ =	shalt  }
0x83: {  	_ =	shalt  }
0x84: {  	_ =	shalt  }
0x85: {  	_ =	shalt  }
0x86: {  	_ =	shalt  }
0x87: {  	_ =	shalt  }
.Lfunc_end0:
.L_simem_size_0:
called_computation_lowered:
.L_overlay_start_0:
0x88: {  	s2 =	sld [smem:$0x3FD9]  }
0x89: {  	s3 =	sld [smem:$0x3FFE];
	_ =	sdelay $0x1  }
0x8a: {  	s1 =	srdreg.scid  }
0x8b: {  	s0 =	sand.u32 $0x1, s1  }
0x8c: {  	s17 =	sshll.u32 s0, $0xA;
	s2 =	sadd.s32 s3, s2  }
0x8d: {  	s2 =	sadd.s32 s2, s17  }
0x8e: {  	[smem:$0x3FC2] =	sst s2  }
0x8f: {  	_ = 	snop  }
0x90: {  	s2 =	sld [smem:$0x3FC9]  }
0x91: {  	s18 =	sld [smem:$0x3FC8]  }
0x92: {  	s4 =	sld [smem:$0x3FD0];
	(tm) =	ssettm $0x1  }
0x93: {  	s5 =	sld [smem:$0x3FFB];
	_ =	sdelay $0x3  }
0x94: {  	_ =	strace s5  }
0x95: {  	s5 =	sld [smem:$0x3FFC];
	_ =	sdelay $0x3  }
0x96: {  	_ =	strace s5  }
0x97: {  	s5 =	sld [smem:$0x3FFD];
	_ =	sdelay $0x3  }
0x98: {  	_ =	strace s5  }
0x99: {  	_ =	strace $0x8FFFFFFF  }
0x9a: {  	s19 =	sld [smem:$0x3FDB];
	_ =	sdelay $0x1  }
0x9b: {  	s6 =	simm.s32 $_scs_section_size  }
0x9c: {  	s7 =	simm.s32 $_size__tile_overlayer_lowered;
	s8 =	simm.s32 $_tile_overlayer_lowered  }
0x9d: {  	s22 =	simm.s32 $0x1BFF;
	s21 =	sshll.u32 s8, $0x1;
	s5 =	sadd.s32 s6, s19  }
0x9e: {  	s9 =	simm.s32 $0x0;
	s20 =	sshll.u32 s7, $0x1;
	s7 =	sadd.s32 s21, s5  }
0x9f: {  	[timem:s9], [sflag:s22] =	dma.local [hbm:s7], s20  }
0xa0: {  	_ =	swait.ge [sflag:s22], s20  }
0xa1: {  	s6 =	ssub.s32 $0x0, s20;
	[sflag:s22] =	ssyncset.done $0x0  }
0xa2: {  	[sflag:s22] =	ssyncadd.s32 s6;
	_ =	sdelay $0x1  }
0xa3: {  	s23 =	simm.s32 $0x1B8B  }
0xa4: {  	_ =	swait.ge [sflag:s23], $0x1  }
0xa5: {  	[sflag:s23] =	ssyncset.done $0x0  }
0xa6: {  	s25 =	simm.s32 $0x1B8E;
	s24 =	sld [smem:$0x3FFE];
	[sflag:s23] =	ssyncadd.s32 $0xFFFFFFFF  }
0xa7: {  	s26 =	simm.s32 $execute0_lowered;
	[smem:$0x3FD2] =	sst s25  }
0xa8: {  	s7 =	sshll.u32 s26, $0x1;
	_ =	strace $0x80000046;
	[dreg:$0x1] =	wrdreg $0xFFFFFFFF  }
0xa9: {  	s28 =	simm.s32 $_size_execute0_lowered;
	s5 =	sadd.s32 s5, s7;
	[dreg:$0x0] =	wrdreg $0x0  }
0xaa: {  	s7 =	sshll.u32 s28, $0x1;
	[dreg:$0x2] =	wrdreg s5  }
0xab: {  	[dreg:$0x3] =	wrdreg s7  }
0xac: {  	[dreg:$0x4] =	wrdreg $0xC0  }
0xad: {  	_ =	task [dreg:s9], $0x5FFFF  }
0xae: {  	[dreg:$0x1] =	wrdreg $0xFFFFFFFF  }
0xaf: {  	[dreg:$0x0] =	wrdreg $0x60  }
0xb0: {  	[dreg:$0x2] =	wrdreg s2  }
0xb1: {  	[dreg:$0x3] =	wrdreg s18  }
0xb2: {  	[dreg:$0x4] =	wrdreg s24  }
0xb3: {  	[dreg:$0x5] =	wrdreg s4  }
0xb4: {  	[dreg:$0x6] =	wrdreg $0x9  }
0xb5: {  	_ =	task.clear_ibuf [dreg:s9], $0x7FFFF;
	_ =	strace $0x90000046  }
0xb6: {  	s29 =	simm.s32 $0x9;
	_ =	strace $0x80000048  }
0xb7: {  	_ =	swait.ge [sflag:s29], $0x1  }
0xb8: {  	[sflag:s29] =	ssyncadd.s32 $0xFFFFFFFF  }
0xb9: {  	_ =	strace $0x90000048  }
0xba: {  	_ =	sfence  }
0xbb: {  	s30 =	sld [smem:$0x0];
	_ =	sdelay $0x2  }
0xbc: {  	s31 =	sshll.u32 s1, $0xD;
	s1 =	sshrl.u32 s1, $0x2  }
0xbd: {  	s3 =	sand.u32 $0x4000, s31;
	s1 =	sadd.s32 s1, s30  }
0xbe: {  	s0 =	sor.u32 s3, s0;
	s1 =	sshll.u32 s1, $0x11  }
0xbf: {  	s0 =	sor.u32 s1, s0  }
0xc0: {  	s0 =	sadd.s32 $0x8F2B, s0  }
0xc1: {  	[sflag:s0] =	ssyncadd.remote.s32 $0x1  }
0xc2: {  	_ =	sfence.sel $0xFFFF  }
0xc3: {  	[dreg:$0x0] =	wrdreg $0xFFFFFFFF;
	(pc) =	sbr.abs _section_cstart, $3  }
0xc4: {  	[dreg:$0x1] =	wrdreg $0xFFFFFFFF  }
0xc5: {  	_ =	task.clear_ibuf [dreg:s9], $0x2FFFF;
	_ =	strace $0x9FFFFFFF  }
0xc6: {  	(tm) =	ssettm $0x7FFFFFFF  }
0xc7: {  	_ =	shalt  }
tec
execute0_lowered:
.L_overlay_start_1:
0x0: {  	(tag) =	ssettag $0x1  }
0x1: {  	s0 =	rddreg [dreg:$0x0]  }
0x2: {  	s2 =	rddreg [dreg:$0x1]  }
0x3: {  	s5 =	rddreg [dreg:$0x2]  }
0x4: {  	s14 =	rddreg [dreg:$0x3];
	s1 =	simm.s32 $0x0  }
0x5: {  	s4 =	srdreg.scid;
	s9 =	stileid.u32;
	s17 =	simm.s32 $0x200  }
0x6: {  	s18 =	simm.s32 $0x80;
	s19 =	simm.s32 $0x280;
	s20 =	simm.s32 $0x100  }
0x7: {  	s21 =	simm.s32 $0x300;
	s22 =	simm.s32 $0x180;
	s23 =	simm.s32 $0x380  }
0x8: {  	s25 =	simm.s32 $0x400;
	s26 =	simm.s32 $0x4400;
	s24 =	simm.s32 $0x1  }
0x9: {  	s28 =	simm.s32 $0x8430;
	s29 =	simm.s32 $0x0;
	[smem:$0x7FF] =	sst s1  }
0xa: {  	s3 =	sadd.s32 $0x1313400, s5;
	s6 =	sand.u32 $0x1, s4;
	s4 =	sadd.s32 $0xF42A00, s5  }
0xb: {  	s9 =	sshll.u32 s9, $0x7;
	s7 =	ssub.s32 $0x2, s6;
	s6 =	sshll.u32 s6, $0x6  }
0xc: {  	s5 =	sadd.s32 $0x600, s5;
	s8 =	sshrl.u32 s7, $0x1;
	s16 =	sor.u32 s6, s9  }
0xd: {  	v1 =	vlaneseq.u32;
	v0 =	vimm.s32 $0x0;
	_ =	strace $0x80000047;
	s15 =	ssub.s32 s7, s8;
	s6 =	sadd.s32 s0, s16  }
0xe: {  	v3 =	vimm.s32 $0x1;
	v4 =	vimm.s32 $0x2;
	v5 =	vimm.s32 $0x3;
	s7 =	sadd.s32 s2, s16;
	s9 =	sor.u32 $0x10, s16;
	s11 =	sor.u32 $0x20, s16  }
0xf: {  	v6 =	vimm.s32 $0x4;
	v7 =	vimm.s32 $0x6;
	v8 =	vimm.s32 $0x7;
	s13 =	sor.u32 $0x30, s16;
	s14 =	sadd.s32 s14, s16;
	s16 =	simm.s32 $0x2  }
0x10: {  	v9 =	vimm.s32 $0x8;
	v10 =	vimm.s32 $0x9;
	v11 =	vimm.s32 $0xA;
	s8 =	sadd.s32 s0, s9;
	s9 =	sadd.s32 s2, s9;
	s10 =	sadd.s32 s0, s11  }
0x11: {  	v12 =	vimm.s32 $0xB;
	v13 =	vimm.s32 $0xC;
	v1 =	vmul.u32 $0x20, v1;
	s11 =	sadd.s32 s2, s11;
	s12 =	sadd.s32 s0, s13;
	s13 =	sadd.s32 s2, s13  }
0x12: {  	v14 =	vimm.s32 $0xD;
	v15 =	vimm.s32 $0xE;
	v16 =	vimm.s32 $0xF;
	s15 =	smax.u32 s15, $0x1;
	s0 =	simm.s32 $0x3400;
	s2 =	simm.s32 $0x7400  }
.LBB2_1:
0x13: {  	[tilespmem:s1], [sflag:$0x2] =	stream.linear.gather [hbm4b:s6+s1], $0x80, $0x38;
	[tilespmem:$0x8630] =	vst v63  }
0x14: {  	_ =	swait.ge [sflag:s16], $0x80  }
0x15: {  	[sflag:s16] =	ssyncset.done $0x0  }
0x16: {  	[sflag:s16] =	ssyncadd.s32 $0xFFFFFF80  }
0x17: {  	[tilespmem:s17], [sflag:$0x2] =	stream.linear.gather [hbm4b:s7+s1], $0x80, $0x38;
	[tilespmem:$0x8630] =	vst v63  }
0x18: {  	_ =	swait.ge [sflag:s16], $0x80  }
0x19: {  	[sflag:s16] =	ssyncset.done $0x0  }
0x1a: {  	[sflag:s16] =	ssyncadd.s32 $0xFFFFFF80  }
0x1b: {  	[tilespmem:s18], [sflag:$0x2] =	stream.linear.gather [hbm4b:s8+s1], $0x80, $0x38;
	[tilespmem:$0x8630] =	vst v63  }
0x1c: {  	_ =	swait.ge [sflag:s16], $0x80  }
0x1d: {  	[sflag:s16] =	ssyncset.done $0x0  }
0x1e: {  	[sflag:s16] =	ssyncadd.s32 $0xFFFFFF80  }
0x1f: {  	[tilespmem:s19], [sflag:$0x2] =	stream.linear.gather [hbm4b:s9+s1], $0x80, $0x38;
	[tilespmem:$0x8630] =	vst v63  }
0x20: {  	_ =	swait.ge [sflag:s16], $0x80  }
0x21: {  	[sflag:s16] =	ssyncset.done $0x0  }
0x22: {  	[sflag:s16] =	ssyncadd.s32 $0xFFFFFF80  }
0x23: {  	[tilespmem:s20], [sflag:$0x2] =	stream.linear.gather [hbm4b:s10+s1], $0x80, $0x38;
	[tilespmem:$0x8630] =	vst v63  }
0x24: {  	_ =	swait.ge [sflag:s16], $0x80  }
0x25: {  	[sflag:s16] =	ssyncset.done $0x0  }
0x26: {  	[sflag:s16] =	ssyncadd.s32 $0xFFFFFF80  }
0x27: {  	[tilespmem:s21], [sflag:$0x2] =	stream.linear.gather [hbm4b:s11+s1], $0x80, $0x38;
	[tilespmem:$0x8630] =	vst v63  }
0x28: {  	_ =	swait.ge [sflag:s16], $0x80  }
0x29: {  	[sflag:s16] =	ssyncset.done $0x0  }
0x2a: {  	[sflag:s16] =	ssyncadd.s32 $0xFFFFFF80  }
0x2b: {  	[tilespmem:s22], [sflag:$0x2] =	stream.linear.gather [hbm4b:s12+s1], $0x80, $0x38;
	[tilespmem:$0x8630] =	vst v63  }
0x2c: {  	_ =	swait.ge [sflag:s16], $0x80  }
0x2d: {  	[sflag:s16] =	ssyncset.done $0x0  }
0x2e: {  	[sflag:s16] =	ssyncadd.s32 $0xFFFFFF80  }
0x2f: {  	[tilespmem:s23], [sflag:$0x2] =	stream.linear.gather [hbm4b:s13+s1], $0x80, $0x38;
	[tilespmem:$0x8630] =	vst v63  }
0x30: {  	_ =	swait.ge [sflag:s16], $0x80  }
0x31: {  	[sflag:s16] =	ssyncset.done $0x0  }
0x32: {  	s30 =	simm.s32 $0x8400;
	[sflag:s16] =	ssyncadd.s32 $0xFFFFFF80  }
0x33: {  	[tilespmem:s30], [sflag:$0x2] =	stream.linear.gather [hbm4b:s5+s1], $0x30, $0x38;
	[tilespmem:$0x8630] =	vst v63  }
0x34: {  	_ =	swait.ge [sflag:s16], $0x30  }
0x35: {  	[sflag:s16] =	ssyncset.done $0x0  }
0x36: {  	[sflag:s16] =	ssyncadd.s32 $0xFFFFFFD0  }
0x37: {  	[tilespmem:s25], [sflag:$0x1] =	stream.indirect.gather [hbm4b:s3+s18], $0x20, s1, s18, $0xb8;
	[tilespmem:$0x8630] =	vst v63  }
0x38: {  	_ = 	snop  }
0x39: {  	[tilespmem:s26], [sflag:$0x1] =	stream.indirect.gather [hbm4b:s4+s18], $0x20, s17, s18, $0xb8;
	[tilespmem:$0x8630] =	vst v63  }
0x3a: {  	s30 =	simm.s32 $0x1400  }
0x3b: {  	[tilespmem:s30], [sflag:$0x1] =	stream.indirect.gather [hbm4b:s3+s18], $0x20, s18, s18, $0xb8;
	[tilespmem:$0x8630] =	vst v63  }
0x3c: {  	s30 =	simm.s32 $0x5400  }
0x3d: {  	[tilespmem:s30], [sflag:$0x1] =	stream.indirect.gather [hbm4b:s4+s18], $0x20, s19, s18, $0xb8;
	[tilespmem:$0x8630] =	vst v63  }
0x3e: {  	s30 =	simm.s32 $0x2400  }
0x3f: {  	[tilespmem:s30], [sflag:$0x1] =	stream.indirect.gather [hbm4b:s3+s18], $0x20, s20, s18, $0xb8;
	[tilespmem:$0x8630] =	vst v63  }
0x40: {  	s30 =	simm.s32 $0x6400  }
0x41: {  	[tilespmem:s30], [sflag:$0x1] =	stream.indirect.gather [hbm4b:s4+s18], $0x20, s21, s18, $0xb8;
	[tilespmem:$0x8630] =	vst v63  }
0x42: {  	_ = 	snop  }
0x43: {  	[tilespmem:s0], [sflag:$0x1] =	stream.indirect.gather [hbm4b:s3+s18], $0x20, s22, s18, $0xb8;
	[tilespmem:$0x8630] =	vst v63  }
0x44: {  	_ = 	snop  }
0x45: {  	[tilespmem:s2], [sflag:$0x1] =	stream.indirect.gather [hbm4b:s4+s18], $0x20, s23, s18, $0xb8;
	[tilespmem:$0x8630] =	vst v63  }
0x46: {  	_ =	swait.ge [sflag:s24], $0x1000  }
0x47: {  	[sflag:s24] =	ssyncset.done $0x0  }
0x48: {  	[sflag:s24] =	ssyncadd.s32 $0xFFFFF000  }
0x49: {  	_ =	swait.ge [sflag:s24], $0x1000  }
0x4a: {  	[sflag:s24] =	ssyncset.done $0x0  }
0x4b: {  	[sflag:s24] =	ssyncadd.s32 $0xFFFFF000  }
0x4c: {  	_ =	swait.ge [sflag:s24], $0x1000  }
0x4d: {  	[sflag:s24] =	ssyncset.done $0x0  }
0x4e: {  	[sflag:s24] =	ssyncadd.s32 $0xFFFFF000  }
0x4f: {  	_ =	swait.ge [sflag:s24], $0x1000  }
0x50: {  	[sflag:s24] =	ssyncset.done $0x0  }
0x51: {  	[sflag:s24] =	ssyncadd.s32 $0xFFFFF000  }
0x52: {  	_ =	swait.ge [sflag:s24], $0x1000  }
0x53: {  	[sflag:s24] =	ssyncset.done $0x0  }
0x54: {  	[sflag:s24] =	ssyncadd.s32 $0xFFFFF000  }
0x55: {  	_ =	swait.ge [sflag:s24], $0x1000  }
0x56: {  	[sflag:s24] =	ssyncset.done $0x0  }
0x57: {  	[sflag:s24] =	ssyncadd.s32 $0xFFFFF000  }
0x58: {  	v17 =	vmov s1;
	_ =	swait.ge [sflag:s24], $0x1000  }
0x59: {  	v17 =	vshll.u32 v17, $0x5;
	[sflag:s24] =	ssyncset.done $0x0  }
0x5a: {  	v44 =	vor.u32 v1, v17;
	[sflag:s24] =	ssyncadd.s32 $0xFFFFF000  }
0x5b: {  	_ =	swait.ge [sflag:s24], $0x1000  }
0x5c: {  	v17 =	vor.u32 $0x1, v44;
	[sflag:s24] =	ssyncset.done $0x0  }
0x5d: {  	[sflag:s24] =	ssyncadd.s32 $0xFFFFF000  }
0x5e: {  	v18 =	vor.u32 $0x2, v44;
	v32 =	vld [tilespmem:$0x8400]  }
0x5f: {  	v19 =	vld.idx.msk [tilespmem:v44+s26+$0x0], $0xffff  }
0x60: {  	v22 =	vor.u32 $0x3, v44;
	v20 =	vld.idx.msk [tilespmem:v44+s25+$0x0], $0xffff  }
0x61: {  	v25 =	vor.u32 $0x4, v44;
	v23 =	vld.idx.msk [tilespmem:v17+s25+$0x0], $0xffff  }
0x62: {  	v28 =	vor.u32 $0x5, v44;
	v24 =	vld.idx.msk [tilespmem:v17+s26+$0x0], $0xffff  }
0x63: {  	v26 =	vld.idx.msk [tilespmem:v18+s25+$0x0], $0xffff  }
0x64: {  	v27 =	vld.idx.msk [tilespmem:v18+s26+$0x0], $0xffff  }
0x65: {  	v29 =	vld.idx.msk [tilespmem:v22+s25+$0x0], $0xffff  }
0x66: {  	v30 =	vld.idx.msk [tilespmem:v25+s25+$0x0], $0xffff  }
0x67: {  	v31 =	vld.idx.msk [tilespmem:v28+s25+$0x0], $0xffff  }
0x68: {  	v21 =	vperm.xlane v32, v0;
	v18 =	vmul.f32 v19, v20;
	v20 =	vld.idx.msk [tilespmem:v22+s26+$0x0], $0xffff;
	v22 =	vor.u32 $0x6, v44  }
0x69: {  	v28 =	vld.idx.msk [tilespmem:v28+s26+$0x0], $0xffff;
	v17 =	vperm.xlane v32, v3  }
0x6a: {  	v23 =	vmul.f32 v24, v23;
	v24 =	vld.idx.msk [tilespmem:v25+s26+$0x0], $0xffff;
	v25 =	vor.u32 $0x7, v44;
	v19 =	vmul.f32 v21, v18  }
0x6b: {  	v51 =	vor.u32 $0x9, v44;
	v26 =	vmul.f32 v27, v26  }
0x6c: {  	v48 =	vld [tilespmem:$0x8410];
	v18 =	vperm.xlane v32, v4;
	v23 =	vmul.f32 v17, v23;
	v33 =	vadd.f32 $0.0e+00, v19  }
0x6d: {  	v2 =	vimm.s32 $0x5;
	v27 =	vor.u32 $0x8, v44;
	v19 =	vperm.xlane v32, v5;
	v34 =	vld.idx.msk [tilespmem:v22+s25+$0x0], $0xffff  }
0x6e: {  	v26 =	vmul.f32 v18, v26;
	v29 =	vmul.f32 v20, v29;
	v35 =	vld.idx.msk [tilespmem:v22+s26+$0x0], $0xffff;
	v23 =	vadd.f32 v23, v33  }
0x6f: {  	v28 =	vmul.f32 v28, v31;
	v31 =	vor.u32 $0xB, v44;
	v20 =	vperm.xlane v32, v6;
	v36 =	vld.idx.msk [tilespmem:v25+s25+$0x0], $0xffff  }
0x70: {  	v24 =	vmul.f32 v24, v30;
	v25 =	vld.idx.msk [tilespmem:v25+s26+$0x0], $0xffff;
	v23 =	vadd.f32 v26, v23;
	v26 =	vmul.f32 v19, v29  }
0x71: {  	v37 =	vld.idx.msk [tilespmem:v51+s25+$0x0], $0xffff;
	v22 =	vperm.xlane v32, v2;
	v29 =	vor.u32 $0xA, v44  }
0x72: {  	v30 =	vld.idx.msk [tilespmem:v27+s25+$0x0], $0xffff;
	v24 =	vmul.f32 v20, v24;
	v26 =	vadd.f32 v26, v23  }
0x73: {  	v52 =	vor.u32 $0xC, v44;
	v27 =	vld.idx.msk [tilespmem:v27+s26+$0x0], $0xffff;
	v28 =	vmul.f32 v22, v28  }
0x74: {  	v33 =	vld.idx.msk [tilespmem:v51+s26+$0x0], $0xffff;
	v23 =	vperm.xlane v32, v7;
	v34 =	vmul.f32 v35, v34;
	v26 =	vadd.f32 v24, v26  }
0x75: {  	v54 =	vor.u32 $0xD, v44;
	v39 =	vld.idx.msk [tilespmem:v31+s25+$0x0], $0xffff;
	v53 =	vmul.f32 v25, v36  }
0x76: {  	v24 =	vperm.xlane v32, v8;
	v38 =	vld.idx.msk [tilespmem:v29+s25+$0x0], $0xffff;
	v26 =	vadd.f32 v28, v26;
	v28 =	vmul.f32 v23, v34  }
0x77: {  	v56 =	vor.u32 $0xF, v44;
	v25 =	vperm.xlane v32, v9;
	v29 =	vld.idx.msk [tilespmem:v29+s26+$0x0], $0xffff  }
0x78: {  	v31 =	vld.idx.msk [tilespmem:v31+s26+$0x0], $0xffff;
	v27 =	vmul.f32 v27, v30;
	v34 =	vmul.f32 v24, v53;
	v28 =	vadd.f32 v28, v26  }
0x79: {  	v40 =	vld.idx.msk [tilespmem:v52+s25+$0x0], $0xffff;
	v30 =	vor.u32 $0xE, v44;
	v33 =	vmul.f32 v33, v37  }
0x7a: {  	v35 =	vld.idx.msk [tilespmem:v52+s26+$0x0], $0xffff;
	v55 =	vmul.f32 v25, v27;
	v26 =	vperm.xlane v32, v10;
	v28 =	vadd.f32 v34, v28  }
0x7b: {  	v57 =	vor.u32 $0x10, v44;
	v41 =	vld.idx.msk [tilespmem:v54+s25+$0x0], $0xffff;
	v27 =	vperm.xlane v32, v11  }
0x7c: {  	v36 =	vld.idx.msk [tilespmem:v54+s26+$0x0], $0xffff;
	v33 =	vmul.f32 v26, v33;
	v29 =	vmul.f32 v29, v38;
	v34 =	vadd.f32 v55, v28  }
0x7d: {  	v59 =	vor.u32 $0x11, v44;
	v45 =	vld.idx.msk [tilespmem:v56+s25+$0x0], $0xffff;
	v31 =	vmul.f32 v31, v39  }
0x7e: {  	v42 =	vld.idx.msk [tilespmem:v30+s25+$0x0], $0xffff;
	v28 =	vperm.xlane v32, v12;
	v58 =	vmul.f32 v27, v29;
	v33 =	vadd.f32 v33, v34  }
0x7f: {  	v61 =	vor.u32 $0x12, v44;
	v43 =	vld.idx.msk [tilespmem:v30+s26+$0x0], $0xffff;
	v60 =	vmul.f32 v35, v40  }
0x80: {  	v37 =	vld.idx.msk [tilespmem:v56+s26+$0x0], $0xffff;
	v29 =	vperm.xlane v32, v13;
	v31 =	vmul.f32 v28, v31;
	v33 =	vadd.f32 v58, v33  }
0x81: {  	v62 =	vld.idx.msk [tilespmem:v57+s25+$0x0], $0xffff;
	v30 =	vperm.xlane v32, v14;
	v36 =	vmul.f32 v36, v41  }
0x82: {  	v63 =	vor.u32 $0x13, v44;
	v38 =	vld.idx.msk [tilespmem:v57+s26+$0x0], $0xffff;
	v34 =	vmul.f32 v29, v60;
	v33 =	vadd.f32 v31, v33  }
0x83: {  	v46 =	vld.idx.msk [tilespmem:v59+s25+$0x0], $0xffff;
	v53 =	vor.u32 $0x14, v44;
	v51 =	vmul.f32 v30, v36  }
0x84: {  	v39 =	vld.idx.msk [tilespmem:v59+s26+$0x0], $0xffff;
	v52 =	vmul.f32 v43, v42;
	v31 =	vperm.xlane v32, v15;
	v33 =	vadd.f32 v34, v33  }
0x85: {  	v47 =	vld.idx.msk [tilespmem:v61+s26+$0x0], $0xffff;
	v37 =	vmul.f32 v37, v45;
	v55 =	vor.u32 $0x15, v44  }
0x86: {  	v54 =	vld.idx.msk [tilespmem:v61+s25+$0x0], $0xffff;
	v32 =	vperm.xlane v32, v16;
	v36 =	vmul.f32 v31, v52;
	v34 =	vadd.f32 v51, v33  }
0x87: {  	v49 =	vld.idx.msk [tilespmem:v63+s25+$0x0], $0xffff;
	v56 =	vor.u32 $0x17, v44;
	v60 =	vmul.f32 v38, v62  }
0x88: {  	v62 =	vld.idx.msk [tilespmem:v63+s26+$0x0], $0xffff;
	v59 =	vmul.f32 v32, v37;
	v33 =	vperm.xlane v48, v0;
	v58 =	vadd.f32 v36, v34  }
0x89: {  	v61 =	vor.u32 $0x16, v44;
	v39 =	vmul.f32 v39, v46;
	v42 =	vld.idx.msk [tilespmem:v53+s26+$0x0], $0xffff  }
0x8a: {  	v63 =	vld.idx.msk [tilespmem:v53+s25+$0x0], $0xffff;
	v34 =	vperm.xlane v48, v3;
	v37 =	vmul.f32 v33, v60;
	v36 =	vadd.f32 v59, v58  }
0x8b: {  	v35 =	vperm.xlane v48, v4;
	v43 =	vmul.f32 v47, v54;
	v50 =	vld.idx.msk [tilespmem:v55+s25+$0x0], $0xffff  }
0x8c: {  	v57 =	vor.u32 $0x18, v44;
	v45 =	vld.idx.msk [tilespmem:v55+s26+$0x0], $0xffff;
	v39 =	vmul.f32 v34, v39;
	v37 =	vadd.f32 v37, v36  }
0x8d: {  	v43 =	vmul.f32 v35, v43;
	v53 =	vld.idx.msk [tilespmem:v56+s25+$0x0], $0xffff;
	v40 =	vmul.f32 v62, v49  }
0x8e: {  	v52 =	vld.idx.msk [tilespmem:v61+s26+$0x0], $0xffff;
	v58 =	vor.u32 $0x19, v44;
	v36 =	vperm.xlane v48, v5;
	v39 =	vadd.f32 v39, v37  }
0x8f: {  	v41 =	vmul.f32 v42, v63;
	v51 =	vld.idx.msk [tilespmem:v61+s25+$0x0], $0xffff;
	v60 =	vor.u32 $0x1B, v44  }
0x90: {  	v62 =	vld.idx.msk [tilespmem:v56+s26+$0x0], $0xffff;
	v37 =	vperm.xlane v48, v6;
	v40 =	vmul.f32 v36, v40;
	v39 =	vadd.f32 v43, v39  }
0x91: {  	v38 =	vperm.xlane v48, v2;
	v47 =	vld.idx.msk [tilespmem:v57+s26+$0x0], $0xffff;
	v45 =	vmul.f32 v45, v50;
	v59 =	vor.u32 $0x1A, v44  }
0x92: {  	v63 =	vld.idx.msk [tilespmem:v57+s25+$0x0], $0xffff;
	v41 =	vmul.f32 v37, v41;
	v40 =	vadd.f32 v40, v39  }
0x93: {  	v61 =	vor.u32 $0x1C, v44;
	v45 =	vmul.f32 v38, v45;
	v54 =	vld.idx.msk [tilespmem:v58+s25+$0x0], $0xffff  }
0x94: {  	v51 =	vmul.f32 v52, v51;
	v49 =	vld.idx.msk [tilespmem:v58+s26+$0x0], $0xffff;
	v39 =	vperm.xlane v48, v7;
	v41 =	vadd.f32 v41, v40  }
0x95: {  	v57 =	vld.idx.msk [tilespmem:v60+s25+$0x0], $0xffff;
	v43 =	vmul.f32 v62, v53;
	v62 =	vor.u32 $0x1D, v44  }
0x96: {  	v55 =	vld.idx.msk [tilespmem:v59+s25+$0x0], $0xffff;
	v40 =	vperm.xlane v48, v8;
	v51 =	vmul.f32 v39, v51;
	v45 =	vadd.f32 v45, v41  }
0x97: {  	v46 =	vmul.f32 v47, v63;
	v56 =	vld.idx.msk [tilespmem:v59+s26+$0x0], $0xffff  }
0x98: {  	v50 =	vld.idx.msk [tilespmem:v60+s26+$0x0], $0xffff;
	v41 =	vperm.xlane v48, v9;
	v43 =	vmul.f32 v40, v43;
	v45 =	vadd.f32 v51, v45  }
0x99: {  	v42 =	vperm.xlane v48, v10;
	v63 =	vor.u32 $0x1E, v44;
	v52 =	vld.idx.msk [tilespmem:v61+s26+$0x0], $0xffff;
	v49 =	vmul.f32 v49, v54  }
0x9a: {  	v58 =	vld.idx.msk [tilespmem:v62+s25+$0x0], $0xffff;
	v46 =	vmul.f32 v41, v46;
	v45 =	vadd.f32 v43, v45  }
0x9b: {  	v54 =	vor.u32 $0x1F, v44;
	v60 =	vmul.f32 v42, v49;
	v51 =	vld.idx.msk [tilespmem:v61+s25+$0x0], $0xffff  }
0x9c: {  	v53 =	vld.idx.msk [tilespmem:v62+s26+$0x0], $0xffff;
	v61 =	vmul.f32 v56, v55;
	v43 =	vperm.xlane v48, v11;
	v45 =	vadd.f32 v46, v45  }
0x9d: {  	v50 =	vmul.f32 v50, v57;
	v44 =	vperm.xlane v48, v12  }
0x9e: {  	v55 =	vld.idx.msk [tilespmem:v63+s25+$0x0], $0xffff;
	v49 =	vmul.f32 v43, v61;
	v46 =	vadd.f32 v60, v45  }
0x9f: {  	v56 =	vld.idx.msk [tilespmem:v63+s26+$0x0], $0xffff;
	v63 =	vmul.f32 v44, v50  }
0xa0: {  	v57 =	vld.idx.msk [tilespmem:v54+s25+$0x0], $0xffff;
	v59 =	vmul.f32 v52, v51;
	v45 =	vperm.xlane v48, v13;
	v62 =	vadd.f32 v49, v46  }
0xa1: {  	v61 =	vmul.f32 v53, v58;
	v60 =	vld.idx.msk [tilespmem:v54+s26+$0x0], $0xffff  }
0xa2: {  	v46 =	vperm.xlane v48, v14;
	v50 =	vmul.f32 v45, v59;
	v49 =	vadd.f32 v63, v62  }
0xa3: {  	v47 =	vperm.xlane v48, v15  }
0xa4: {  	v62 =	vmul.f32 v46, v61;
	v63 =	vmul.f32 v56, v55;
	v49 =	vadd.f32 v50, v49  }
0xa5: {  	v48 =	vperm.xlane v48, v16;
	v56 =	vld [tilespmem:$0x8420]  }
0xa6: {  	v51 =	vmul.f32 v60, v57;
	v58 =	vmul.f32 v47, v63;
	v49 =	vadd.f32 v62, v49;
	_ =	sdelay $0x1  }
0xa7: {  	v51 =	vmul.f32 v48, v51;
	v50 =	vadd.f32 v58, v49;
	_ =	sdelay $0x1  }
0xa8: {  	v49 =	vperm.xlane v56, v0;
	v50 =	vadd.f32 v51, v50;
	_ =	sdelay $0x1  }
0xa9: {  	v50 =	vadd.f32 v50, v49;
	_ =	sdelay $0x1  }
0xaa: {  	v50 =	vsub.f32 $0.0e+00, v50;
	_ =	sdelay $0x1  }
0xab: {  	v50 =	vmul.f32 $1.442695020e+00, v50;
	_ =	sdelay $0x1  }
0xac: {  	(erf) = vpow2.f32 v50;
	_ =	sdelay $0x8  }
0xad: {  	v50 =	vpop (erf)  }
0xae: {  	v50 =	vadd.f32 $1.000000000e+00, v50;
	_ =	sdelay $0x1  }
0xaf: {  	(erf) = vrcp.f32 v50;
	_ =	sdelay $0x2  }
0xb0: {  	s30 =	simm.s32 $0x10  }
0xb1: {  	v59 =	vmov s30  }
0xb2: {  	v50 =	vshll.u32 v59, $0x5  }
0xb3: {  	v50 =	vor.u32 v1, v50;
	_ =	sdelay $0x1  }
0xb4: {  	v60 =	vor.u32 $0x1, v50  }
0xb5: {  	v61 =	vpop (erf)  }
0xb6: {  	v62 =	vor.u32 $0x2, v50;
	[tilespmem:s28+$0x0] =	vst v61  }
0xb7: {  	v52 =	vld.idx.msk [tilespmem:v50+s26+$0x0], $0xffff  }
0xb8: {  	v55 =	vor.u32 $0x3, v50;
	v54 =	vld.idx.msk [tilespmem:v50+s25+$0x0], $0xffff  }
0xb9: {  	v56 =	vld.idx.msk [tilespmem:v60+s25+$0x0], $0xffff  }
0xba: {  	v57 =	vor.u32 $0x4, v50;
	v51 =	vld.idx.msk [tilespmem:v60+s26+$0x0], $0xffff  }
0xbb: {  	v58 =	vld.idx.msk [tilespmem:v62+s25+$0x0], $0xffff  }
0xbc: {  	v59 =	vor.u32 $0x5, v50;
	v53 =	vld.idx.msk [tilespmem:v62+s26+$0x0], $0xffff  }
0xbd: {  	v60 =	vld.idx.msk [tilespmem:v55+s25+$0x0], $0xffff;
	v52 =	vmul.f32 v52, v54  }
0xbe: {  	v54 =	vld.idx.msk [tilespmem:v55+s26+$0x0], $0xffff;
	v55 =	vor.u32 $0x6, v50  }
0xbf: {  	v61 =	vld.idx.msk [tilespmem:v57+s25+$0x0], $0xffff;
	v51 =	vmul.f32 v51, v56;
	v52 =	vmul.f32 v21, v52  }
0xc0: {  	v56 =	vld.idx.msk [tilespmem:v57+s26+$0x0], $0xffff;
	v57 =	vor.u32 $0x7, v50  }
0xc1: {  	v62 =	vld.idx.msk [tilespmem:v59+s25+$0x0], $0xffff;
	v53 =	vmul.f32 v53, v58;
	v51 =	vmul.f32 v17, v51;
	v52 =	vadd.f32 $0.0e+00, v52  }
0xc2: {  	v59 =	vld.idx.msk [tilespmem:v59+s26+$0x0], $0xffff;
	v58 =	vor.u32 $0x8, v50  }
0xc3: {  	v53 =	vmul.f32 v18, v53;
	v54 =	vmul.f32 v54, v60;
	v51 =	vadd.f32 v51, v52;
	v52 =	vld.idx.msk [tilespmem:v55+s25+$0x0], $0xffff  }
0xc4: {  	v60 =	vor.u32 $0x9, v50;
	v55 =	vld.idx.msk [tilespmem:v55+s26+$0x0], $0xffff  }
0xc5: {  	v56 =	vmul.f32 v56, v61;
	v54 =	vmul.f32 v19, v54;
	v51 =	vadd.f32 v53, v51;
	v53 =	vld.idx.msk [tilespmem:v57+s25+$0x0], $0xffff  }
0xc6: {  	v61 =	vor.u32 $0xA, v50;
	v57 =	vld.idx.msk [tilespmem:v57+s26+$0x0], $0xffff  }
0xc7: {  	v59 =	vmul.f32 v59, v62;
	v56 =	vmul.f32 v20, v56;
	v51 =	vadd.f32 v54, v51;
	v54 =	vld.idx.msk [tilespmem:v58+s25+$0x0], $0xffff  }
0xc8: {  	v62 =	vor.u32 $0xB, v50;
	v58 =	vld.idx.msk [tilespmem:v58+s26+$0x0], $0xffff  }
0xc9: {  	v59 =	vmul.f32 v22, v59;
	v52 =	vmul.f32 v55, v52;
	v51 =	vadd.f32 v56, v51;
	v56 =	vld.idx.msk [tilespmem:v60+s25+$0x0], $0xffff  }
0xca: {  	v55 =	vor.u32 $0xC, v50;
	v60 =	vld.idx.msk [tilespmem:v60+s26+$0x0], $0xffff  }
0xcb: {  	v52 =	vmul.f32 v23, v52;
	v53 =	vmul.f32 v57, v53;
	v51 =	vadd.f32 v59, v51;
	v59 =	vld.idx.msk [tilespmem:v61+s25+$0x0], $0xffff  }
0xcc: {  	v57 =	vor.u32 $0xD, v50;
	v61 =	vld.idx.msk [tilespmem:v61+s26+$0x0], $0xffff  }
0xcd: {  	v53 =	vmul.f32 v24, v53;
	v54 =	vmul.f32 v58, v54;
	v51 =	vadd.f32 v52, v51;
	v52 =	vld.idx.msk [tilespmem:v62+s25+$0x0], $0xffff  }
0xce: {  	v58 =	vor.u32 $0xE, v50;
	v62 =	vld.idx.msk [tilespmem:v62+s26+$0x0], $0xffff  }
0xcf: {  	v54 =	vmul.f32 v25, v54;
	v56 =	vmul.f32 v60, v56;
	v51 =	vadd.f32 v53, v51;
	v53 =	vld.idx.msk [tilespmem:v55+s25+$0x0], $0xffff  }
0xd0: {  	v60 =	vor.u32 $0xF, v50;
	v55 =	vld.idx.msk [tilespmem:v55+s26+$0x0], $0xffff  }
0xd1: {  	v56 =	vmul.f32 v26, v56;
	v59 =	vmul.f32 v61, v59;
	v51 =	vadd.f32 v54, v51;
	v54 =	vld.idx.msk [tilespmem:v57+s25+$0x0], $0xffff  }
0xd2: {  	v61 =	vor.u32 $0x10, v50;
	v57 =	vld.idx.msk [tilespmem:v57+s26+$0x0], $0xffff  }
0xd3: {  	v59 =	vmul.f32 v27, v59;
	v52 =	vmul.f32 v62, v52;
	v51 =	vadd.f32 v56, v51;
	v56 =	vld.idx.msk [tilespmem:v58+s25+$0x0], $0xffff  }
0xd4: {  	v62 =	vor.u32 $0x11, v50;
	v58 =	vld.idx.msk [tilespmem:v58+s26+$0x0], $0xffff  }
0xd5: {  	v52 =	vmul.f32 v28, v52;
	v53 =	vmul.f32 v55, v53;
	v51 =	vadd.f32 v59, v51;
	v59 =	vld.idx.msk [tilespmem:v60+s25+$0x0], $0xffff  }
0xd6: {  	v55 =	vor.u32 $0x12, v50;
	v60 =	vld.idx.msk [tilespmem:v60+s26+$0x0], $0xffff  }
0xd7: {  	v53 =	vmul.f32 v29, v53;
	v54 =	vmul.f32 v57, v54;
	v51 =	vadd.f32 v52, v51;
	v52 =	vld.idx.msk [tilespmem:v61+s25+$0x0], $0xffff  }
0xd8: {  	v57 =	vor.u32 $0x13, v50;
	v61 =	vld.idx.msk [tilespmem:v61+s26+$0x0], $0xffff  }
0xd9: {  	v54 =	vmul.f32 v30, v54;
	v56 =	vmul.f32 v58, v56;
	v51 =	vadd.f32 v53, v51;
	v53 =	vld.idx.msk [tilespmem:v62+s25+$0x0], $0xffff  }
0xda: {  	v58 =	vor.u32 $0x14, v50;
	v62 =	vld.idx.msk [tilespmem:v62+s26+$0x0], $0xffff  }
0xdb: {  	v56 =	vmul.f32 v31, v56;
	v59 =	vmul.f32 v60, v59;
	v51 =	vadd.f32 v54, v51;
	v54 =	vld.idx.msk [tilespmem:v55+s25+$0x0], $0xffff  }
0xdc: {  	v60 =	vor.u32 $0x15, v50;
	v55 =	vld.idx.msk [tilespmem:v55+s26+$0x0], $0xffff  }
0xdd: {  	v59 =	vmul.f32 v32, v59;
	v52 =	vmul.f32 v61, v52;
	v51 =	vadd.f32 v56, v51;
	v56 =	vld.idx.msk [tilespmem:v57+s25+$0x0], $0xffff  }
0xde: {  	v61 =	vor.u32 $0x16, v50;
	v57 =	vld.idx.msk [tilespmem:v57+s26+$0x0], $0xffff  }
0xdf: {  	v52 =	vmul.f32 v33, v52;
	v53 =	vmul.f32 v62, v53;
	v51 =	vadd.f32 v59, v51;
	v59 =	vld.idx.msk [tilespmem:v58+s25+$0x0], $0xffff  }
0xe0: {  	v62 =	vor.u32 $0x17, v50;
	v58 =	vld.idx.msk [tilespmem:v58+s26+$0x0], $0xffff  }
0xe1: {  	v53 =	vmul.f32 v34, v53;
	v54 =	vmul.f32 v55, v54;
	v51 =	vadd.f32 v52, v51;
	v52 =	vld.idx.msk [tilespmem:v60+s25+$0x0], $0xffff  }
0xe2: {  	v55 =	vor.u32 $0x18, v50;
	v60 =	vld.idx.msk [tilespmem:v60+s26+$0x0], $0xffff  }
0xe3: {  	v54 =	vmul.f32 v35, v54;
	v56 =	vmul.f32 v57, v56;
	v51 =	vadd.f32 v53, v51;
	v53 =	vld.idx.msk [tilespmem:v61+s25+$0x0], $0xffff  }
0xe4: {  	v57 =	vor.u32 $0x19, v50;
	v61 =	vld.idx.msk [tilespmem:v61+s26+$0x0], $0xffff  }
0xe5: {  	v56 =	vmul.f32 v36, v56;
	v58 =	vmul.f32 v58, v59;
	v51 =	vadd.f32 v54, v51;
	v54 =	vld.idx.msk [tilespmem:v62+s25+$0x0], $0xffff  }
0xe6: {  	v59 =	vor.u32 $0x1A, v50;
	v62 =	vld.idx.msk [tilespmem:v62+s26+$0x0], $0xffff  }
0xe7: {  	v58 =	vmul.f32 v37, v58;
	v52 =	vmul.f32 v60, v52;
	v51 =	vadd.f32 v56, v51;
	v56 =	vld.idx.msk [tilespmem:v55+s25+$0x0], $0xffff  }
0xe8: {  	v60 =	vor.u32 $0x1B, v50;
	v55 =	vld.idx.msk [tilespmem:v55+s26+$0x0], $0xffff  }
0xe9: {  	v52 =	vmul.f32 v38, v52;
	v53 =	vmul.f32 v61, v53;
	v51 =	vadd.f32 v58, v51;
	v58 =	vld.idx.msk [tilespmem:v57+s25+$0x0], $0xffff  }
0xea: {  	v61 =	vor.u32 $0x1C, v50;
	v57 =	vld.idx.msk [tilespmem:v57+s26+$0x0], $0xffff  }
0xeb: {  	v53 =	vmul.f32 v39, v53;
	v54 =	vmul.f32 v62, v54;
	v51 =	vadd.f32 v52, v51;
	v52 =	vld.idx.msk [tilespmem:v59+s25+$0x0], $0xffff  }
0xec: {  	v62 =	vor.u32 $0x1D, v50;
	v59 =	vld.idx.msk [tilespmem:v59+s26+$0x0], $0xffff  }
0xed: {  	v54 =	vmul.f32 v40, v54;
	v55 =	vmul.f32 v55, v56;
	v51 =	vadd.f32 v53, v51;
	v53 =	vld.idx.msk [tilespmem:v60+s25+$0x0], $0xffff  }
0xee: {  	v56 =	vor.u32 $0x1E, v50;
	v60 =	vld.idx.msk [tilespmem:v60+s26+$0x0], $0xffff  }
0xef: {  	v63 =	vld.idx.msk [tilespmem:v61+s26+$0x0], $0xffff;
	v55 =	vmul.f32 v41, v55;
	v51 =	vadd.f32 v54, v51;
	v54 =	vmul.f32 v57, v58  }
0xf0: {  	v50 =	vor.u32 $0x1F, v50;
	v57 =	vld.idx.msk [tilespmem:v61+s25+$0x0], $0xffff  }
0xf1: {  	v61 =	vld.idx.msk [tilespmem:v62+s26+$0x0], $0xffff;
	v52 =	vmul.f32 v59, v52;
	v51 =	vadd.f32 v55, v51;
	v54 =	vmul.f32 v42, v54  }
0xf2: {  	v55 =	vld.idx.msk [tilespmem:v62+s25+$0x0], $0xffff  }
0xf3: {  	v62 =	vld.idx.msk [tilespmem:v56+s25+$0x0], $0xffff;
	v53 =	vmul.f32 v60, v53;
	v52 =	vmul.f32 v43, v52;
	v51 =	vadd.f32 v54, v51  }
0xf4: {  	v56 =	vld.idx.msk [tilespmem:v56+s26+$0x0], $0xffff  }
0xf5: {  	v60 =	vld.idx.msk [tilespmem:v50+s25+$0x0], $0xffff;
	v63 =	vmul.f32 v63, v57;
	v53 =	vmul.f32 v44, v53;
	v51 =	vadd.f32 v52, v51  }
0xf6: {  	v50 =	vld.idx.msk [tilespmem:v50+s26+$0x0], $0xffff  }
0xf7: {  	v61 =	vmul.f32 v61, v55;
	v52 =	vmul.f32 v45, v63;
	v51 =	vadd.f32 v53, v51;
	_ =	sdelay $0x1  }
0xf8: {  	v62 =	vmul.f32 v56, v62;
	v53 =	vmul.f32 v46, v61;
	v51 =	vadd.f32 v52, v51;
	_ =	sdelay $0x1  }
0xf9: {  	v50 =	vmul.f32 v50, v60;
	v52 =	vmul.f32 v47, v62;
	v51 =	vadd.f32 v53, v51;
	_ =	sdelay $0x1  }
0xfa: {  	v50 =	vmul.f32 v48, v50;
	v51 =	vadd.f32 v52, v51;
	_ =	sdelay $0x1  }
0xfb: {  	v50 =	vadd.f32 v50, v51;
	_ =	sdelay $0x1  }
0xfc: {  	v50 =	vadd.f32 v50, v49;
	_ =	sdelay $0x1  }
0xfd: {  	v50 =	vsub.f32 $0.0e+00, v50;
	_ =	sdelay $0x1  }
0xfe: {  	v50 =	vmul.f32 $1.442695020e+00, v50;
	_ =	sdelay $0x1  }
0xff: {  	(erf) = vpow2.f32 v50;
	_ =	sdelay $0x8  }
0x100: {  	v50 =	vpop (erf)  }
0x101: {  	v50 =	vadd.f32 $1.000000000e+00, v50;
	_ =	sdelay $0x1  }
0x102: {  	(erf) = vrcp.f32 v50;
	_ =	sdelay $0x2  }
0x103: {  	s30 =	simm.s32 $0x20  }
0x104: {  	v63 =	vmov s30  }
0x105: {  	s31 =	simm.s32 $0x30;
	s30 =	simm.s32 $0x8430;
	v50 =	vshll.u32 v63, $0x5  }
.LBB2_2:
0x106: {  	p0 =	sne.s32 s31, $0x1F0;
	v50 =	vor.u32 v1, v50;
	_ =	sdelay $0x1  }
0x107: {  	v51 =	vor.u32 $0x1, v50  }
0x108: {  	s30 =	sadd.s32 $0x10, s30;
	v52 =	vpop (erf)  }
0x109: {  	v53 =	vor.u32 $0x2, v50;
	[tilespmem:s30+$0x0] =	vst v52  }
0x10a: {  	v52 =	vld.idx.msk [tilespmem:v50+s26+$0x0], $0xffff  }
0x10b: {  	v55 =	vor.u32 $0x3, v50;
	v54 =	vld.idx.msk [tilespmem:v50+s25+$0x0], $0xffff  }
0x10c: {  	v56 =	vld.idx.msk [tilespmem:v51+s25+$0x0], $0xffff  }
0x10d: {  	v57 =	vor.u32 $0x4, v50;
	v51 =	vld.idx.msk [tilespmem:v51+s26+$0x0], $0xffff  }
0x10e: {  	v58 =	vld.idx.msk [tilespmem:v53+s25+$0x0], $0xffff  }
0x10f: {  	v59 =	vor.u32 $0x5, v50;
	v53 =	vld.idx.msk [tilespmem:v53+s26+$0x0], $0xffff  }
0x110: {  	v60 =	vld.idx.msk [tilespmem:v55+s25+$0x0], $0xffff  }
0x111: {  	v52 =	vmul.f32 v52, v54;
	v54 =	vld.idx.msk [tilespmem:v55+s26+$0x0], $0xffff;
	v55 =	vor.u32 $0x6, v50  }
0x112: {  	v61 =	vld.idx.msk [tilespmem:v57+s25+$0x0], $0xffff  }
0x113: {  	v52 =	vmul.f32 v21, v52;
	v51 =	vmul.f32 v51, v56;
	v56 =	vld.idx.msk [tilespmem:v57+s26+$0x0], $0xffff;
	v57 =	vor.u32 $0x7, v50  }
0x114: {  	v63 =	vor.u32 $0x8, v50;
	v62 =	vld.idx.msk [tilespmem:v59+s25+$0x0], $0xffff  }
0x115: {  	v52 =	vadd.f32 $0.0e+00, v52;
	v51 =	vmul.f32 v17, v51;
	v53 =	vmul.f32 v53, v58;
	v58 =	vld.idx.msk [tilespmem:v59+s26+$0x0], $0xffff  }
0x116: {  	v2 =	vor.u32 $0x9, v50;
	v59 =	vld.idx.msk [tilespmem:v55+s25+$0x0], $0xffff  }
0x117: {  	v51 =	vadd.f32 v51, v52;
	v52 =	vmul.f32 v18, v53;
	v53 =	vmul.f32 v54, v60;
	v54 =	vld.idx.msk [tilespmem:v55+s26+$0x0], $0xffff  }
0x118: {  	v60 =	vor.u32 $0xA, v50;
	v55 =	vld.idx.msk [tilespmem:v57+s25+$0x0], $0xffff  }
0x119: {  	v51 =	vadd.f32 v52, v51;
	v52 =	vmul.f32 v19, v53;
	v53 =	vmul.f32 v56, v61;
	v56 =	vld.idx.msk [tilespmem:v57+s26+$0x0], $0xffff  }
0x11a: {  	v61 =	vor.u32 $0xB, v50;
	v57 =	vld.idx.msk [tilespmem:v63+s25+$0x0], $0xffff  }
0x11b: {  	v51 =	vadd.f32 v52, v51;
	v52 =	vmul.f32 v20, v53;
	v53 =	vmul.f32 v58, v62;
	v58 =	vld.idx.msk [tilespmem:v63+s26+$0x0], $0xffff  }
0x11c: {  	v63 =	vor.u32 $0xC, v50;
	v62 =	vld.idx.msk [tilespmem:v2+s25+$0x0], $0xffff  }
0x11d: {  	v51 =	vadd.f32 v52, v51;
	v52 =	vmul.f32 v22, v53;
	v53 =	vmul.f32 v54, v59;
	v2 =	vld.idx.msk [tilespmem:v2+s26+$0x0], $0xffff  }
0x11e: {  	v59 =	vor.u32 $0xD, v50;
	v54 =	vld.idx.msk [tilespmem:v60+s25+$0x0], $0xffff  }
0x11f: {  	v51 =	vadd.f32 v52, v51;
	v52 =	vmul.f32 v23, v53;
	v53 =	vmul.f32 v56, v55;
	v55 =	vld.idx.msk [tilespmem:v60+s26+$0x0], $0xffff  }
0x120: {  	v60 =	vor.u32 $0xE, v50;
	v56 =	vld.idx.msk [tilespmem:v61+s25+$0x0], $0xffff  }
0x121: {  	v51 =	vadd.f32 v52, v51;
	v52 =	vmul.f32 v24, v53;
	v53 =	vmul.f32 v58, v57;
	v57 =	vld.idx.msk [tilespmem:v61+s26+$0x0], $0xffff  }
0x122: {  	v61 =	vor.u32 $0xF, v50;
	v58 =	vld.idx.msk [tilespmem:v63+s25+$0x0], $0xffff  }
0x123: {  	v51 =	vadd.f32 v52, v51;
	v52 =	vmul.f32 v25, v53;
	v2 =	vmul.f32 v2, v62;
	v53 =	vld.idx.msk [tilespmem:v63+s26+$0x0], $0xffff  }
0x124: {  	v63 =	vor.u32 $0x10, v50;
	v62 =	vld.idx.msk [tilespmem:v59+s25+$0x0], $0xffff  }
0x125: {  	v51 =	vadd.f32 v52, v51;
	v2 =	vmul.f32 v26, v2;
	v52 =	vmul.f32 v55, v54;
	v54 =	vld.idx.msk [tilespmem:v59+s26+$0x0], $0xffff  }
0x126: {  	v59 =	vor.u32 $0x11, v50;
	v55 =	vld.idx.msk [tilespmem:v60+s25+$0x0], $0xffff  }
0x127: {  	v2 =	vadd.f32 v2, v51;
	v51 =	vmul.f32 v27, v52;
	v52 =	vmul.f32 v57, v56;
	v56 =	vld.idx.msk [tilespmem:v60+s26+$0x0], $0xffff  }
0x128: {  	v60 =	vor.u32 $0x12, v50;
	v57 =	vld.idx.msk [tilespmem:v61+s25+$0x0], $0xffff  }
0x129: {  	v2 =	vadd.f32 v51, v2;
	v51 =	vmul.f32 v28, v52;
	v52 =	vmul.f32 v53, v58;
	v53 =	vld.idx.msk [tilespmem:v61+s26+$0x0], $0xffff  }
0x12a: {  	v61 =	vor.u32 $0x13, v50;
	v58 =	vld.idx.msk [tilespmem:v63+s25+$0x0], $0xffff  }
0x12b: {  	v2 =	vadd.f32 v51, v2;
	v51 =	vmul.f32 v29, v52;
	v52 =	vmul.f32 v54, v62;
	v54 =	vld.idx.msk [tilespmem:v63+s26+$0x0], $0xffff  }
0x12c: {  	v63 =	vor.u32 $0x14, v50;
	v62 =	vld.idx.msk [tilespmem:v59+s25+$0x0], $0xffff  }
0x12d: {  	v2 =	vadd.f32 v51, v2;
	v51 =	vmul.f32 v30, v52;
	v52 =	vmul.f32 v56, v55;
	v55 =	vld.idx.msk [tilespmem:v59+s26+$0x0], $0xffff  }
0x12e: {  	v59 =	vor.u32 $0x15, v50;
	v56 =	vld.idx.msk [tilespmem:v60+s25+$0x0], $0xffff  }
0x12f: {  	v2 =	vadd.f32 v51, v2;
	v51 =	vmul.f32 v31, v52;
	v52 =	vmul.f32 v53, v57;
	v53 =	vld.idx.msk [tilespmem:v60+s26+$0x0], $0xffff  }
0x130: {  	v60 =	vor.u32 $0x16, v50;
	v57 =	vld.idx.msk [tilespmem:v61+s25+$0x0], $0xffff  }
0x131: {  	v2 =	vadd.f32 v51, v2;
	v51 =	vmul.f32 v32, v52;
	v52 =	vmul.f32 v54, v58;
	v54 =	vld.idx.msk [tilespmem:v61+s26+$0x0], $0xffff  }
0x132: {  	v61 =	vor.u32 $0x17, v50;
	v58 =	vld.idx.msk [tilespmem:v63+s25+$0x0], $0xffff  }
0x133: {  	v2 =	vadd.f32 v51, v2;
	v51 =	vmul.f32 v33, v52;
	v52 =	vmul.f32 v55, v62;
	v55 =	vld.idx.msk [tilespmem:v63+s26+$0x0], $0xffff  }
0x134: {  	v63 =	vor.u32 $0x18, v50;
	v62 =	vld.idx.msk [tilespmem:v59+s25+$0x0], $0xffff  }
0x135: {  	v2 =	vadd.f32 v51, v2;
	v51 =	vmul.f32 v34, v52;
	v52 =	vmul.f32 v53, v56;
	v53 =	vld.idx.msk [tilespmem:v59+s26+$0x0], $0xffff  }
0x136: {  	v59 =	vor.u32 $0x19, v50;
	v56 =	vld.idx.msk [tilespmem:v60+s25+$0x0], $0xffff  }
0x137: {  	v2 =	vadd.f32 v51, v2;
	v51 =	vmul.f32 v35, v52;
	v52 =	vmul.f32 v54, v57;
	v54 =	vld.idx.msk [tilespmem:v60+s26+$0x0], $0xffff  }
0x138: {  	v60 =	vor.u32 $0x1A, v50;
	v57 =	vld.idx.msk [tilespmem:v61+s25+$0x0], $0xffff  }
0x139: {  	v2 =	vadd.f32 v51, v2;
	v51 =	vmul.f32 v36, v52;
	v52 =	vmul.f32 v55, v58;
	v55 =	vld.idx.msk [tilespmem:v61+s26+$0x0], $0xffff  }
0x13a: {  	v61 =	vor.u32 $0x1B, v50;
	v58 =	vld.idx.msk [tilespmem:v63+s25+$0x0], $0xffff  }
0x13b: {  	v2 =	vadd.f32 v51, v2;
	v51 =	vmul.f32 v37, v52;
	v52 =	vmul.f32 v53, v62;
	v53 =	vld.idx.msk [tilespmem:v63+s26+$0x0], $0xffff  }
0x13c: {  	v63 =	vor.u32 $0x1C, v50;
	v62 =	vld.idx.msk [tilespmem:v59+s25+$0x0], $0xffff  }
0x13d: {  	v2 =	vadd.f32 v51, v2;
	v51 =	vmul.f32 v38, v52;
	v52 =	vmul.f32 v54, v56;
	v54 =	vld.idx.msk [tilespmem:v59+s26+$0x0], $0xffff  }
0x13e: {  	v59 =	vor.u32 $0x1D, v50;
	v56 =	vld.idx.msk [tilespmem:v60+s25+$0x0], $0xffff  }
0x13f: {  	v2 =	vadd.f32 v51, v2;
	v51 =	vmul.f32 v39, v52;
	v52 =	vmul.f32 v55, v57;
	v55 =	vld.idx.msk [tilespmem:v60+s26+$0x0], $0xffff  }
0x140: {  	v60 =	vor.u32 $0x1E, v50;
	v57 =	vld.idx.msk [tilespmem:v61+s25+$0x0], $0xffff  }
0x141: {  	v2 =	vadd.f32 v51, v2;
	v51 =	vmul.f32 v40, v52;
	v52 =	vmul.f32 v53, v58;
	v53 =	vld.idx.msk [tilespmem:v61+s26+$0x0], $0xffff  }
0x142: {  	v50 =	vor.u32 $0x1F, v50;
	v58 =	vld.idx.msk [tilespmem:v63+s25+$0x0], $0xffff  }
0x143: {  	v2 =	vadd.f32 v51, v2;
	v51 =	vmul.f32 v41, v52;
	v52 =	vmul.f32 v54, v62;
	v54 =	vld.idx.msk [tilespmem:v63+s26+$0x0], $0xffff  }
0x144: {  	v61 =	vld.idx.msk [tilespmem:v59+s25+$0x0], $0xffff  }
0x145: {  	v2 =	vadd.f32 v51, v2;
	v51 =	vmul.f32 v42, v52;
	v52 =	vmul.f32 v55, v56;
	v55 =	vld.idx.msk [tilespmem:v59+s26+$0x0], $0xffff  }
0x146: {  	v56 =	vld.idx.msk [tilespmem:v60+s25+$0x0], $0xffff  }
0x147: {  	v2 =	vadd.f32 v51, v2;
	v51 =	vmul.f32 v43, v52;
	v52 =	vmul.f32 v53, v57;
	v53 =	vld.idx.msk [tilespmem:v60+s26+$0x0], $0xffff  }
0x148: {  	v57 =	vld.idx.msk [tilespmem:v50+s25+$0x0], $0xffff  }
0x149: {  	v2 =	vadd.f32 v51, v2;
	v51 =	vmul.f32 v44, v52;
	v52 =	vmul.f32 v54, v58;
	v50 =	vld.idx.msk [tilespmem:v50+s26+$0x0], $0xffff;
	_ =	sdelay $0x1  }
0x14a: {  	v2 =	vadd.f32 v51, v2;
	v51 =	vmul.f32 v45, v52;
	v52 =	vmul.f32 v55, v61;
	_ =	sdelay $0x1  }
0x14b: {  	v2 =	vadd.f32 v51, v2;
	v51 =	vmul.f32 v46, v52;
	v52 =	vmul.f32 v53, v56;
	_ =	sdelay $0x1  }
0x14c: {  	v2 =	vadd.f32 v51, v2;
	v51 =	vmul.f32 v47, v52;
	v50 =	vmul.f32 v50, v57;
	_ =	sdelay $0x1  }
0x14d: {  	v2 =	vadd.f32 v51, v2;
	v50 =	vmul.f32 v48, v50;
	_ =	sdelay $0x1  }
0x14e: {  	v2 =	vadd.f32 v50, v2;
	_ =	sdelay $0x1  }
0x14f: {  	v2 =	vadd.f32 v2, v49;
	_ =	sdelay $0x1  }
0x150: {  	v2 =	vsub.f32 $0.0e+00, v2;
	_ =	sdelay $0x1  }
0x151: {  	v2 =	vmul.f32 $1.442695020e+00, v2;
	_ =	sdelay $0x1  }
0x152: {  	(erf) = vpow2.f32 v2;
	_ =	sdelay $0x8  }
0x153: {  	v2 =	vpop (erf)  }
0x154: {  	v2 =	vadd.f32 $1.000000000e+00, v2;
	_ =	sdelay $0x1  }
0x155: {  	(erf) = vrcp.f32 v2  }
.Ltmp0:
0x156: {  	(pc) =	sbr.rel @p0 .LBB2_2-.Ltmp0, $3  }
0x157: {  	_ =	sdelay $0x1  }
0x158: {  	v2 =	vmov s31  }
0x159: {  	s31 =	sadd.s32 $0x10, s31;
	v50 =	vshll.u32 v2, $0x5  }
0x15a: {  	v50 =	vor.u32 v1, v50;
	_ =	sdelay $0x1  }
0x15b: {  	v2 =	vor.u32 $0x1, v50  }
0x15c: {  	s30 =	sadd.s32 $0x10, s30;
	v51 =	vpop (erf)  }
0x15d: {  	v52 =	vor.u32 $0x2, v50;
	[tilespmem:s30+$0x0] =	vst v51  }
0x15e: {  	v51 =	vld.idx.msk [tilespmem:v50+s26+$0x0], $0xffff  }
0x15f: {  	v54 =	vor.u32 $0x3, v50;
	v53 =	vld.idx.msk [tilespmem:v50+s25+$0x0], $0xffff  }
0x160: {  	v55 =	vld.idx.msk [tilespmem:v2+s25+$0x0], $0xffff  }
0x161: {  	v56 =	vor.u32 $0x4, v50;
	v2 =	vld.idx.msk [tilespmem:v2+s26+$0x0], $0xffff  }
0x162: {  	v57 =	vld.idx.msk [tilespmem:v52+s25+$0x0], $0xffff  }
0x163: {  	v58 =	vor.u32 $0x5, v50;
	v52 =	vld.idx.msk [tilespmem:v52+s26+$0x0], $0xffff  }
0x164: {  	v59 =	vld.idx.msk [tilespmem:v54+s25+$0x0], $0xffff;
	v51 =	vmul.f32 v51, v53  }
0x165: {  	v53 =	vld.idx.msk [tilespmem:v54+s26+$0x0], $0xffff;
	v54 =	vor.u32 $0x6, v50  }
0x166: {  	v60 =	vld.idx.msk [tilespmem:v56+s25+$0x0], $0xffff;
	v2 =	vmul.f32 v2, v55;
	v21 =	vmul.f32 v21, v51  }
0x167: {  	v63 =	vor.u32 $0x7, v50;
	v51 =	vld.idx.msk [tilespmem:v56+s26+$0x0], $0xffff  }
0x168: {  	v56 =	vld.idx.msk [tilespmem:v58+s25+$0x0], $0xffff;
	v2 =	vmul.f32 v17, v2;
	v17 =	vmul.f32 v52, v57;
	v21 =	vadd.f32 $0.0e+00, v21  }
0x169: {  	v52 =	vor.u32 $0x8, v50;
	v57 =	vld.idx.msk [tilespmem:v58+s26+$0x0], $0xffff  }
0x16a: {  	v61 =	vld.idx.msk [tilespmem:v54+s25+$0x0], $0xffff;
	v17 =	vmul.f32 v18, v17;
	v18 =	vmul.f32 v53, v59;
	v2 =	vadd.f32 v2, v21  }
0x16b: {  	v62 =	vld.idx.msk [tilespmem:v54+s26+$0x0], $0xffff;
	v21 =	vor.u32 $0x9, v50  }
0x16c: {  	v54 =	vld.idx.msk [tilespmem:v63+s25+$0x0], $0xffff;
	v2 =	vadd.f32 v17, v2;
	v17 =	vmul.f32 v19, v18;
	v18 =	vmul.f32 v51, v60  }
0x16d: {  	v63 =	vld.idx.msk [tilespmem:v63+s26+$0x0], $0xffff;
	v19 =	vor.u32 $0xA, v50  }
0x16e: {  	v55 =	vld.idx.msk [tilespmem:v52+s25+$0x0], $0xffff;
	v2 =	vadd.f32 v17, v2;
	v17 =	vmul.f32 v20, v18;
	v18 =	vmul.f32 v57, v56  }
0x16f: {  	v52 =	vld.idx.msk [tilespmem:v52+s26+$0x0], $0xffff;
	v20 =	vor.u32 $0xB, v50  }
0x170: {  	v60 =	vld.idx.msk [tilespmem:v21+s25+$0x0], $0xffff;
	v2 =	vadd.f32 v17, v2;
	v17 =	vmul.f32 v22, v18;
	v18 =	vmul.f32 v62, v61  }
0x171: {  	v21 =	vld.idx.msk [tilespmem:v21+s26+$0x0], $0xffff;
	v61 =	vor.u32 $0xC, v50  }
0x172: {  	v62 =	vld.idx.msk [tilespmem:v19+s25+$0x0], $0xffff;
	v2 =	vadd.f32 v17, v2;
	v17 =	vmul.f32 v23, v18;
	v18 =	vmul.f32 v63, v54  }
0x173: {  	v19 =	vld.idx.msk [tilespmem:v19+s26+$0x0], $0xffff;
	v63 =	vor.u32 $0xD, v50  }
0x174: {  	v57 =	vld.idx.msk [tilespmem:v20+s25+$0x0], $0xffff;
	v2 =	vadd.f32 v17, v2;
	v17 =	vmul.f32 v24, v18;
	v18 =	vmul.f32 v52, v55  }
0x175: {  	v58 =	vor.u32 $0xE, v50;
	v20 =	vld.idx.msk [tilespmem:v20+s26+$0x0], $0xffff  }
0x176: {  	v59 =	vld.idx.msk [tilespmem:v61+s25+$0x0], $0xffff;
	v2 =	vadd.f32 v17, v2;
	v17 =	vmul.f32 v25, v18;
	v18 =	vmul.f32 v21, v60  }
0x177: {  	v22 =	vld.idx.msk [tilespmem:v61+s26+$0x0], $0xffff;
	v60 =	vor.u32 $0xF, v50  }
0x178: {  	v61 =	vld.idx.msk [tilespmem:v63+s25+$0x0], $0xffff;
	v2 =	vadd.f32 v17, v2;
	v17 =	vmul.f32 v26, v18;
	v18 =	vmul.f32 v19, v62  }
0x179: {  	v23 =	vld.idx.msk [tilespmem:v63+s26+$0x0], $0xffff;
	v19 =	vor.u32 $0x10, v50  }
0x17a: {  	v24 =	vld.idx.msk [tilespmem:v58+s26+$0x0], $0xffff;
	v2 =	vadd.f32 v17, v2;
	v17 =	vmul.f32 v27, v18;
	v18 =	vmul.f32 v20, v57  }
0x17b: {  	v63 =	vor.u32 $0x11, v50;
	v62 =	vld.idx.msk [tilespmem:v58+s25+$0x0], $0xffff  }
0x17c: {  	v51 =	vld.idx.msk [tilespmem:v60+s25+$0x0], $0xffff;
	v2 =	vadd.f32 v17, v2;
	v17 =	vmul.f32 v28, v18;
	v18 =	vmul.f32 v22, v59  }
0x17d: {  	v53 =	vor.u32 $0x12, v50;
	v21 =	vld.idx.msk [tilespmem:v60+s26+$0x0], $0xffff  }
0x17e: {  	v54 =	vld.idx.msk [tilespmem:v19+s25+$0x0], $0xffff;
	v2 =	vadd.f32 v17, v2;
	v17 =	vmul.f32 v29, v18;
	v18 =	vmul.f32 v23, v61  }
0x17f: {  	v55 =	vor.u32 $0x13, v50;
	v19 =	vld.idx.msk [tilespmem:v19+s26+$0x0], $0xffff  }
0x180: {  	v56 =	vld.idx.msk [tilespmem:v63+s25+$0x0], $0xffff;
	v2 =	vadd.f32 v17, v2;
	v17 =	vmul.f32 v30, v18;
	v18 =	vmul.f32 v24, v62  }
0x181: {  	v57 =	vor.u32 $0x14, v50;
	v20 =	vld.idx.msk [tilespmem:v63+s26+$0x0], $0xffff  }
0x182: {  	v58 =	vld.idx.msk [tilespmem:v53+s25+$0x0], $0xffff;
	v2 =	vadd.f32 v17, v2;
	v17 =	vmul.f32 v31, v18;
	v18 =	vmul.f32 v21, v51  }
0x183: {  	v59 =	vor.u32 $0x15, v50;
	v22 =	vld.idx.msk [tilespmem:v53+s26+$0x0], $0xffff  }
0x184: {  	v60 =	vld.idx.msk [tilespmem:v55+s25+$0x0], $0xffff;
	v2 =	vadd.f32 v17, v2;
	v17 =	vmul.f32 v32, v18;
	v18 =	vmul.f32 v19, v54  }
0x185: {  	v23 =	vld.idx.msk [tilespmem:v55+s26+$0x0], $0xffff;
	v19 =	vor.u32 $0x16, v50  }
0x186: {  	v61 =	vld.idx.msk [tilespmem:v57+s25+$0x0], $0xffff;
	v2 =	vadd.f32 v17, v2;
	v17 =	vmul.f32 v33, v18;
	v18 =	vmul.f32 v20, v56  }
0x187: {  	v62 =	vor.u32 $0x17, v50;
	v24 =	vld.idx.msk [tilespmem:v57+s26+$0x0], $0xffff  }
0x188: {  	v63 =	vld.idx.msk [tilespmem:v59+s25+$0x0], $0xffff;
	v2 =	vadd.f32 v17, v2;
	v17 =	vmul.f32 v34, v18;
	v18 =	vmul.f32 v22, v58  }
0x189: {  	v21 =	vld.idx.msk [tilespmem:v59+s26+$0x0], $0xffff;
	v32 =	vor.u32 $0x18, v50  }
0x18a: {  	v33 =	vld.idx.msk [tilespmem:v19+s25+$0x0], $0xffff;
	v2 =	vadd.f32 v17, v2;
	v17 =	vmul.f32 v35, v18;
	v18 =	vmul.f32 v23, v60  }
0x18b: {  	v34 =	vor.u32 $0x19, v50;
	v19 =	vld.idx.msk [tilespmem:v19+s26+$0x0], $0xffff  }
0x18c: {  	v20 =	vld.idx.msk [tilespmem:v62+s26+$0x0], $0xffff;
	v2 =	vadd.f32 v17, v2;
	v17 =	vmul.f32 v36, v18;
	v18 =	vmul.f32 v24, v61  }
0x18d: {  	v35 =	vld.idx.msk [tilespmem:v62+s25+$0x0], $0xffff;
	v36 =	vor.u32 $0x1A, v50  }
0x18e: {  	v51 =	vld.idx.msk [tilespmem:v32+s25+$0x0], $0xffff;
	v2 =	vadd.f32 v17, v2;
	v17 =	vmul.f32 v37, v18;
	v18 =	vmul.f32 v21, v63  }
0x18f: {  	v52 =	vor.u32 $0x1B, v50;
	v22 =	vld.idx.msk [tilespmem:v32+s26+$0x0], $0xffff  }
0x190: {  	v53 =	vld.idx.msk [tilespmem:v34+s25+$0x0], $0xffff;
	v2 =	vadd.f32 v17, v2;
	v17 =	vmul.f32 v38, v18;
	v18 =	vmul.f32 v19, v33  }
0x191: {  	v23 =	vld.idx.msk [tilespmem:v34+s26+$0x0], $0xffff;
	v19 =	vor.u32 $0x1C, v50  }
0x192: {  	v54 =	vld.idx.msk [tilespmem:v36+s25+$0x0], $0xffff;
	v2 =	vadd.f32 v17, v2;
	v17 =	vmul.f32 v39, v18;
	v18 =	vmul.f32 v20, v35  }
0x193: {  	v55 =	vor.u32 $0x1D, v50;
	v24 =	vld.idx.msk [tilespmem:v36+s26+$0x0], $0xffff  }
0x194: {  	v56 =	vld.idx.msk [tilespmem:v52+s25+$0x0], $0xffff;
	v2 =	vadd.f32 v17, v2;
	v17 =	vmul.f32 v40, v18;
	v18 =	vmul.f32 v22, v51  }
0x195: {  	v57 =	vor.u32 $0x1E, v50;
	v21 =	vld.idx.msk [tilespmem:v52+s26+$0x0], $0xffff  }
0x196: {  	v58 =	vld.idx.msk [tilespmem:v19+s25+$0x0], $0xffff;
	v2 =	vadd.f32 v17, v2;
	v17 =	vmul.f32 v41, v18;
	v18 =	vmul.f32 v23, v53  }
0x197: {  	v59 =	vor.u32 $0x1F, v50;
	v19 =	vld.idx.msk [tilespmem:v19+s26+$0x0], $0xffff  }
0x198: {  	v60 =	vld.idx.msk [tilespmem:v55+s25+$0x0], $0xffff;
	v2 =	vadd.f32 v17, v2;
	v17 =	vmul.f32 v42, v18;
	v18 =	vmul.f32 v24, v54  }
0x199: {  	v20 =	vld.idx.msk [tilespmem:v55+s26+$0x0], $0xffff  }
0x19a: {  	v62 =	vld.idx.msk [tilespmem:v57+s26+$0x0], $0xffff;
	v2 =	vadd.f32 v17, v2;
	v17 =	vmul.f32 v43, v18;
	v18 =	vmul.f32 v21, v56  }
0x19b: {  	v61 =	vld.idx.msk [tilespmem:v57+s25+$0x0], $0xffff  }
0x19c: {  	v63 =	vld.idx.msk [tilespmem:v59+s25+$0x0], $0xffff;
	v2 =	vadd.f32 v17, v2;
	v17 =	vmul.f32 v44, v18;
	v18 =	vmul.f32 v19, v58  }
0x19d: {  	v19 =	vld.idx.msk [tilespmem:v59+s26+$0x0], $0xffff  }
0x19e: {  	v2 =	vadd.f32 v17, v2;
	v17 =	vmul.f32 v45, v18;
	v18 =	vmul.f32 v20, v60;
	_ =	sdelay $0x1  }
0x19f: {  	v2 =	vadd.f32 v17, v2;
	v17 =	vmul.f32 v46, v18;
	v18 =	vmul.f32 v62, v61;
	_ =	sdelay $0x1  }
0x1a0: {  	v2 =	vadd.f32 v17, v2;
	v17 =	vmul.f32 v47, v18;
	v18 =	vmul.f32 v19, v63;
	_ =	sdelay $0x1  }
0x1a1: {  	v2 =	vadd.f32 v17, v2;
	v17 =	vmul.f32 v48, v18;
	_ =	sdelay $0x1  }
0x1a2: {  	v2 =	vadd.f32 v17, v2;
	_ =	sdelay $0x1  }
0x1a3: {  	v2 =	vadd.f32 v2, v49;
	_ =	sdelay $0x1  }
0x1a4: {  	v2 =	vsub.f32 $0.0e+00, v2;
	_ =	sdelay $0x1  }
0x1a5: {  	v2 =	vmul.f32 $1.442695020e+00, v2;
	_ =	sdelay $0x1  }
0x1a6: {  	(erf) = vpow2.f32 v2;
	_ =	sdelay $0x8  }
0x1a7: {  	v2 =	vpop (erf)  }
0x1a8: {  	v2 =	vadd.f32 $1.000000000e+00, v2;
	_ =	sdelay $0x1  }
0x1a9: {  	(erf) = vrcp.f32 v2;
	_ =	sdelay $0x7  }
0x1aa: {  	s29 =	sadd.s32 $0x1, s29  }
0x1ab: {  	p0 =	sne.s32 s29, s15;
	s30 =	sadd.s32 $0x10, s30;
	v2 =	vpop (erf)  }
.Ltmp1:
0x1ac: {  	[tilespmem:s30+$0x0] =	vst v2;
	(pc) =	sbr.rel @p0 .LBB2_1-.Ltmp1, $4  }
0x1ad: {  	[hbm4b:s14+s1] =	stream.linear.scatter [tilespmem:s28], [sflag:$0x2], $0x200, $0x38;
	[tilespmem:$0x8630] =	vst v63  }
0x1ae: {  	_ =	swait.ge [sflag:s16], $0x200  }
0x1af: {  	[sflag:s16] =	ssyncset.done $0x0  }
0x1b0: {  	[sflag:s16] =	ssyncadd.s32 $0xFFFFFE00  }
0x1b1: {  	_ =	sfence.sel $0x180000  }
0x1b2: {  	[bflag:$0x0] =	sbarrier.arrive $0xFFFF  }
0x1b3: {  	_ =	strace $0x90000047  }
0x1b4: {  	s0 =	stileid.u32;
	[bflag:$0x2] =	sbarrier.arrive $0xFFFF  }
0x1b5: {  	p0 =	sne.s32 s0, $0x0;
	s0 =	rddreg [dreg:$0x4]  }
0x1b6: {  	s0 =	sadd.s32 @!p0 $0x100000, s0  }
0x1b7: {  	[sflag:s0] =	ssyncadd.tile.s32 @!p0 $0x1;
	_ =	shalt  }
.Lfunc_end2:
_tile_overlayer_lowered:
.L_overlay_start_2:
0x1b8: {  	(tag) =	ssettag $0x2  }
0x1b9: {  	s0 =	rddreg [dreg:$0x0];
	s2 =	stileid.u32  }
0x1ba: {  	s1 =	rddreg [dreg:$0x1];
	p0 =	sne.s32 s2, $0x0  }
0x1bb: {  	s3 =	rddreg [dreg:$0x2];
	[bflag:$0x3] =	sbarrier.arrive $0xFFFF;
	s2 =	simm.s32 @!p0 $0x1C02  }
0x1bc: {  	[timem:s3], [sflag:s2] =	dma.local @!p0 [hbm:s0], s1  }
0x1bd: {  	s0 =	simm.s32 @!p0 $0x2  }
0x1be: {  	_ =	swait.ge @!p0 [sflag:s0], s1  }
0x1bf: {  	s1 =	ssub.s32 @!p0 $0x0, s1;
	[sflag:s0] =	ssyncset.done @!p0 $0x0  }
0x1c0: {  	[sflag:s0] =	ssyncadd.s32 @!p0 s1  }
0x1c1: {  	[bflag:$0x3] =	sbarrier.arrive $0xFFFF  }
0x1c2: {  	_ =	shalt  }

</sc_bundles>
